<compile_context>
chip_gen: v7x
topology: tpu7x:2x2x1
jax: 0.10.2.dev20260603
libtpu: 0.0.44.dev20260713+nightly
codegen_flags: <defaults>
</compile_context>

<pallas_src>
import functools

import jax
import jax.numpy as jnp
from jax import lax
from jax.experimental import pallas as pl
from jax.experimental.pallas import tpu as pltpu
from jax.experimental.pallas import tpu_sc as plsc

B, N, D = 4, 4096, 1024
ROWS = B * N
NW = 32
RPW = ROWS // NW
C = 32
NCH = RPW // C

K = 3

_mesh = plsc.VectorSubcoreMesh(core_axis_name="c", subcore_axis_name="s")


@functools.partial(
    pl.kernel,
    mesh=_mesh,
    out_type=jax.ShapeDtypeStruct((NW, NCH, C, D), jnp.float32),
    scratch_types=[
        pltpu.VMEM((NCH, C), jnp.int32),
        pltpu.VMEM((C, D), jnp.float32),
        pltpu.VMEM((C, D), jnp.float32),
        pltpu.VMEM((C, D), jnp.float32),
        pltpu.SemaphoreType.DMA,
        pltpu.SemaphoreType.DMA,
        pltpu.SemaphoreType.DMA,
        pltpu.SemaphoreType.DMA,
        pltpu.SemaphoreType.DMA,
        pltpu.SemaphoreType.DMA,
    ],
)
def _shuffle_sc(x_hbm, idx_hbm, out_hbm, idx_v, b0, b1, b2,
                gs0, gs1, gs2, ws0, ws1, ws2):
    wid = lax.axis_index("s") * 2 + lax.axis_index("c")
    pltpu.sync_copy(idx_hbm.at[wid], idx_v)
    bufs = (b0, b1, b2)
    gsems = (gs0, gs1, gs2)
    wsems = (ws0, ws1, ws2)
    g = [None] * NCH
    w = [None] * NCH
    for j in range(K):
        g[j] = pltpu.async_copy(x_hbm.at[idx_v.at[j]], bufs[j], gsems[j])
    for j in range(NCH):
        s = j % K
        if j >= 1 and j - 1 + K < NCH:
            p = j - 1
            w[p].wait()
            g[p + K] = pltpu.async_copy(
                x_hbm.at[idx_v.at[p + K]], bufs[p % K], gsems[p % K])
        g[j].wait()
        w[j] = pltpu.async_copy(bufs[s], out_hbm.at[wid, j], wsems[s])
    for j in range(NCH - K, NCH):
        if w[j] is not None:
            w[j].wait()


def kernel(x, sample):
    b, n, d = x.shape
    perm = jax.random.permutation(jax.random.key(42), n).astype(jnp.int32)
    base = (jnp.arange(b, dtype=jnp.int32) * n)[:, None]
    idx_sh = base + perm[None, :]
    idx_id = base + jnp.arange(n, dtype=jnp.int32)[None, :]
    idx = jnp.where(sample != 0, idx_sh, idx_id).reshape(NW, NCH, C)
    out = _shuffle_sc(x.reshape(b * n, d), idx)
    return out.reshape(b, n, d)

# --- scband reference (transcript-rebuilt; emitter-appended) ---
"""Pipeline reference for scband-latent-shuffle-40647570489961 (READ-ONLY COPY).

The authoritative reference and input builder live on the scoring server;
editing this copy changes nothing except your own understanding.
"""

import jax, jax.numpy as jnp
import numpy as np


def setup_inputs(seed: int = 0) -> dict:
    key = jax.random.key(seed)
    x = jax.random.normal(key, (4, 4096, 1024), dtype=jnp.float32)
    # sample flag passed as a Python int (truthy -> shuffle path, matching training/sample=True)
    return {"x": x, "sample": 1}


def reference(x, sample):
    # Faithful translation of LatentShuffle.forward with training/sample=True:
    # generate a random permutation of the latent dimension n and gather.
    # torch.randperm is nondeterministic; we use a fixed JAX key for reproducibility.
    b, n, c = x.shape
    new_ind = jax.random.permutation(jax.random.key(42), n)
    shuffled = x[:, new_ind]
    return jnp.where(sample != 0, shuffled, x)

if __name__ == "__main__":
    import jax
    _d = setup_inputs()
    print(jax.jit(kernel)(*tuple(_d.values())))

</pallas_src>

<mosaic_0001>
#map = affine_map<(d0, d1) -> (0, 0)>
#map1 = affine_map<(d0, d1) -> (0, 0, 0)>
#map2 = affine_map<(d0, d1) -> (0, 0, 0, 0)>
module attributes {stable_mosaic.version = 14 : i64} {
  func.func @_shuffle_sc(%arg0: i32, %arg1: i32, %arg2: memref<16384x1024xf32, #tpu.memory_space<hbm>>, %arg3: memref<32x16x32xi32, #tpu.memory_space<hbm>>, %arg4: memref<32x16x32x1024xf32, #tpu.memory_space<hbm>>, %arg5: memref<16x32xi32, #tpu.memory_space<vmem>>, %arg6: memref<32x1024xf32, #tpu.memory_space<vmem>>, %arg7: memref<32x1024xf32, #tpu.memory_space<vmem>>, %arg8: memref<32x1024xf32, #tpu.memory_space<vmem>>, %arg9: memref<!tpu.dma_semaphore, #tpu.memory_space<semaphore_mem>>, %arg10: memref<!tpu.dma_semaphore, #tpu.memory_space<semaphore_mem>>, %arg11: memref<!tpu.dma_semaphore, #tpu.memory_space<semaphore_mem>>, %arg12: memref<!tpu.dma_semaphore, #tpu.memory_space<semaphore_mem>>, %arg13: memref<!tpu.dma_semaphore, #tpu.memory_space<semaphore_mem>>, %arg14: memref<!tpu.dma_semaphore, #tpu.memory_space<semaphore_mem>>) attributes {dimension_semantics = [#tpu.dimension_semantics<core_parallel>, #tpu.dimension_semantics<subcore_parallel>], iteration_bounds = array<i64: 2, 16>, scalar_prefetch = 0 : i64, scratch_operands = 10 : i64, tpu.core_type = #tpu.core_type<sc_vector_subcore>, window_params = [{transform_indices = #map}, {transform_indices = #map1}, {transform_indices = #map2}]} {
    %mul3A = arith.constant 2 : i32
    %mul3A_0 = arith.muli %arg1, %mul3A : i32
    %add3A = arith.addi %mul3A_0, %arg0 : i32
    "tpu.region"() ({
      %run_scoped3A = tpu.sem_alloc : memref<!tpu.dma_semaphore, #tpu.memory_space<semaphore_mem>>
      %dma_start3A_511 = arith.constant 0 : i32
      %dma_start3A_512 = arith.constant 0 : i32
      %dma_start3A_513 = tpu.memref_slice %arg3[%add3A, %dma_start3A_511, %dma_start3A_512] : memref<32x16x32xi32, #tpu.memory_space<hbm>> -> memref<1x16x32xi32, #tpu.memory_space<hbm>>
      %dma_start3A_514 = tpu.memref_squeeze %dma_start3A_513 : memref<1x16x32xi32, #tpu.memory_space<hbm>> -> memref<16x32xi32, #tpu.memory_space<hbm>>
      %dma_start3A_515 = arith.constant 0 : i32
      %dma_start3A_516 = arith.constant 0 : i32
      %dma_start3A_517 = tpu.memref_slice %arg3[%add3A, %dma_start3A_515, %dma_start3A_516] : memref<32x16x32xi32, #tpu.memory_space<hbm>> -> memref<1x16x32xi32, #tpu.memory_space<hbm>>
      %dma_start3A_518 = tpu.memref_squeeze %dma_start3A_517 : memref<1x16x32xi32, #tpu.memory_space<hbm>> -> memref<16x32xi32, #tpu.memory_space<hbm>>
      tpu.enqueue_dma source(%dma_start3A_518 : memref<16x32xi32, #tpu.memory_space<hbm>>) target(%arg5 : memref<16x32xi32, #tpu.memory_space<vmem>>) target_semaphore(%run_scoped3A : memref<!tpu.dma_semaphore, #tpu.memory_space<semaphore_mem>>)
      %dma_wait3A_519 = arith.constant 0 : i32
      %dma_wait3A_520 = arith.constant 0 : i32
      %dma_wait3A_521 = tpu.memref_slice %arg3[%add3A, %dma_wait3A_519, %dma_wait3A_520] : memref<32x16x32xi32, #tpu.memory_space<hbm>> -> memref<1x16x32xi32, #tpu.memory_space<hbm>>
      %dma_wait3A_522 = tpu.memref_squeeze %dma_wait3A_521 : memref<1x16x32xi32, #tpu.memory_space<hbm>> -> memref<16x32xi32, #tpu.memory_space<hbm>>
      %dma_wait3A_523 = arith.constant 0 : i32
      %dma_wait3A_524 = arith.constant 0 : i32
      %dma_wait3A_525 = tpu.memref_slice %arg3[%add3A, %dma_wait3A_523, %dma_wait3A_524] : memref<32x16x32xi32, #tpu.memory_space<hbm>> -> memref<1x16x32xi32, #tpu.memory_space<hbm>>
      %dma_wait3A_526 = tpu.memref_squeeze %dma_wait3A_525 : memref<1x16x32xi32, #tpu.memory_space<hbm>> -> memref<16x32xi32, #tpu.memory_space<hbm>>
      tpu.wait_dma2 semaphore(%run_scoped3A : memref<!tpu.dma_semaphore, #tpu.memory_space<semaphore_mem>>) src(%dma_wait3A_526 : memref<16x32xi32, #tpu.memory_space<hbm>>) dst(%arg5 : memref<16x32xi32, #tpu.memory_space<vmem>>)
      tpu.yield
    }) : () -> ()
    %dma_start3A = arith.constant 0 : i32
    %dma_start3A_1 = arith.constant 0 : i32
    %dma_start3A_2 = tpu.memref_slice %arg5[%dma_start3A, %dma_start3A_1] : memref<16x32xi32, #tpu.memory_space<vmem>> -> memref<1x32xi32, #tpu.memory_space<vmem>>
    %dma_start3A_3 = tpu.memref_squeeze %dma_start3A_2 : memref<1x32xi32, #tpu.memory_space<vmem>> -> memref<32xi32, #tpu.memory_space<vmem>>
    %dma_start3A_4 = arith.constant 0 : i32
    %dma_start3A_5 = arith.constant 0 : i32
    %dma_start3A_6 = tpu.memref_slice %arg2[%dma_start3A_4, %dma_start3A_5] : memref<16384x1024xf32, #tpu.memory_space<hbm>> -> memref<16384x1024xf32, #tpu.memory_space<hbm>>
    tpu.enqueue_indirect_dma source(%dma_start3A_6 : memref<16384x1024xf32, #tpu.memory_space<hbm>>) target(%arg6 : memref<32x1024xf32, #tpu.memory_space<vmem>>) offsets(%dma_start3A_3 : memref<32xi32, #tpu.memory_space<vmem>>) semaphore(%arg9 : memref<!tpu.dma_semaphore, #tpu.memory_space<semaphore_mem>>)
    %dma_start3A_7 = arith.constant 1 : i32
    %dma_start3A_8 = arith.constant 0 : i32
    %dma_start3A_9 = tpu.memref_slice %arg5[%dma_start3A_7, %dma_start3A_8] : memref<16x32xi32, #tpu.memory_space<vmem>> -> memref<1x32xi32, #tpu.memory_space<vmem>>
    %dma_start3A_10 = tpu.memref_squeeze %dma_start3A_9 : memref<1x32xi32, #tpu.memory_space<vmem>> -> memref<32xi32, #tpu.memory_space<vmem>>
    %dma_start3A_11 = arith.constant 0 : i32
    %dma_start3A_12 = arith.constant 0 : i32
    %dma_start3A_13 = tpu.memref_slice %arg2[%dma_start3A_11, %dma_start3A_12] : memref<16384x1024xf32, #tpu.memory_space<hbm>> -> memref<16384x1024xf32, #tpu.memory_space<hbm>>
    tpu.enqueue_indirect_dma source(%dma_start3A_13 : memref<16384x1024xf32, #tpu.memory_space<hbm>>) target(%arg7 : memref<32x1024xf32, #tpu.memory_space<vmem>>) offsets(%dma_start3A_10 : memref<32xi32, #tpu.memory_space<vmem>>) semaphore(%arg10 : memref<!tpu.dma_semaphore, #tpu.memory_space<semaphore_mem>>)
    %dma_start3A_14 = arith.constant 2 : i32
    %dma_start3A_15 = arith.constant 0 : i32
    %dma_start3A_16 = tpu.memref_slice %arg5[%dma_start3A_14, %dma_start3A_15] : memref<16x32xi32, #tpu.memory_space<vmem>> -> memref<1x32xi32, #tpu.memory_space<vmem>>
    %dma_start3A_17 = tpu.memref_squeeze %dma_start3A_16 : memref<1x32xi32, #tpu.memory_space<vmem>> -> memref<32xi32, #tpu.memory_space<vmem>>
    %dma_start3A_18 = arith.constant 0 : i32
    %dma_start3A_19 = arith.constant 0 : i32
    %dma_start3A_20 = tpu.memref_slice %arg2[%dma_start3A_18, %dma_start3A_19] : memref<16384x1024xf32, #tpu.memory_space<hbm>> -> memref<16384x1024xf32, #tpu.memory_space<hbm>>
    tpu.enqueue_indirect_dma source(%dma_start3A_20 : memref<16384x1024xf32, #tpu.memory_space<hbm>>) target(%arg8 : memref<32x1024xf32, #tpu.memory_space<vmem>>) offsets(%dma_start3A_17 : memref<32xi32, #tpu.memory_space<vmem>>) semaphore(%arg11 : memref<!tpu.dma_semaphore, #tpu.memory_space<semaphore_mem>>)
    %dma_wait3A = arith.constant 0 : i32
    %dma_wait3A_21 = arith.constant 0 : i32
    %dma_wait3A_22 = tpu.memref_slice %arg5[%dma_wait3A, %dma_wait3A_21] : memref<16x32xi32, #tpu.memory_space<vmem>> -> memref<1x32xi32, #tpu.memory_space<vmem>>
    %dma_wait3A_23 = tpu.memref_squeeze %dma_wait3A_22 : memref<1x32xi32, #tpu.memory_space<vmem>> -> memref<32xi32, #tpu.memory_space<vmem>>
    %dma_wait3A_24 = arith.constant 0 : i32
    %dma_wait3A_25 = arith.constant 0 : i32
    %dma_wait3A_26 = tpu.memref_slice %arg2[%dma_wait3A_24, %dma_wait3A_25] : memref<16384x1024xf32, #tpu.memory_space<hbm>> -> memref<16384x1024xf32, #tpu.memory_space<hbm>>
    tpu.wait_indirect_dma semaphore(%arg9 : memref<!tpu.dma_semaphore, #tpu.memory_space<semaphore_mem>>) src(%dma_wait3A_26 : memref<16384x1024xf32, #tpu.memory_space<hbm>>) dst(%arg6 : memref<32x1024xf32, #tpu.memory_space<vmem>>)
    %dma_start3A_27 = arith.constant 0 : i32
    %dma_start3A_28 = arith.constant 0 : i32
    %dma_start3A_29 = arith.constant 0 : i32
    %dma_start3A_30 = tpu.memref_slice %arg4[%add3A, %dma_start3A_27, %dma_start3A_28, %dma_start3A_29] : memref<32x16x32x1024xf32, #tpu.memory_space<hbm>> -> memref<1x1x32x1024xf32, #tpu.memory_space<hbm>>
    %dma_start3A_31 = tpu.memref_squeeze %dma_start3A_30 : memref<1x1x32x1024xf32, #tpu.memory_space<hbm>> -> memref<32x1024xf32, #tpu.memory_space<hbm>>
    %dma_start3A_32 = arith.constant 0 : i32
    %dma_start3A_33 = arith.constant 0 : i32
    %dma_start3A_34 = tpu.memref_slice %arg4[%add3A, %dma_start3A_27, %dma_start3A_32, %dma_start3A_33] : memref<32x16x32x1024xf32, #tpu.memory_space<hbm>> -> memref<1x1x32x1024xf32, #tpu.memory_space<hbm>>
    %dma_start3A_35 = tpu.memref_squeeze %dma_start3A_34 : memref<1x1x32x1024xf32, #tpu.memory_space<hbm>> -> memref<32x1024xf32, #tpu.memory_space<hbm>>
    tpu.enqueue_dma source(%arg6 : memref<32x1024xf32, #tpu.memory_space<vmem>>) target(%dma_start3A_35 : memref<32x1024xf32, #tpu.memory_space<hbm>>) target_semaphore(%arg12 : memref<!tpu.dma_semaphore, #tpu.memory_space<semaphore_mem>>)
    %dma_wait3A_36 = arith.constant 0 : i32
    %dma_wait3A_37 = arith.constant 0 : i32
    %dma_wait3A_38 = arith.constant 0 : i32
    %dma_wait3A_39 = tpu.memref_slice %arg4[%add3A, %dma_wait3A_36, %dma_wait3A_37, %dma_wait3A_38] : memref<32x16x32x1024xf32, #tpu.memory_space<hbm>> -> memref<1x1x32x1024xf32, #tpu.memory_space<hbm>>
    %dma_wait3A_40 = tpu.memref_squeeze %dma_wait3A_39 : memref<1x1x32x1024xf32, #tpu.memory_space<hbm>> -> memref<32x1024xf32, #tpu.memory_space<hbm>>
    %dma_wait3A_41 = arith.constant 0 : i32
    %dma_wait3A_42 = arith.constant 0 : i32
    %dma_wait3A_43 = tpu.memref_slice %arg4[%add3A, %dma_wait3A_36, %dma_wait3A_41, %dma_wait3A_42] : memref<32x16x32x1024xf32, #tpu.memory_space<hbm>> -> memref<1x1x32x1024xf32, #tpu.memory_space<hbm>>
    %dma_wait3A_44 = tpu.memref_squeeze %dma_wait3A_43 : memref<1x1x32x1024xf32, #tpu.memory_space<hbm>> -> memref<32x1024xf32, #tpu.memory_space<hbm>>
    tpu.wait_dma2 semaphore(%arg12 : memref<!tpu.dma_semaphore, #tpu.memory_space<semaphore_mem>>) src(%arg6 : memref<32x1024xf32, #tpu.memory_space<vmem>>) dst(%dma_wait3A_44 : memref<32x1024xf32, #tpu.memory_space<hbm>>)
    %dma_start3A_45 = arith.constant 3 : i32
    %dma_start3A_46 = arith.constant 0 : i32
    %dma_start3A_47 = tpu.memref_slice %arg5[%dma_start3A_45, %dma_start3A_46] : memref<16x32xi32, #tpu.memory_space<vmem>> -> memref<1x32xi32, #tpu.memory_space<vmem>>
    %dma_start3A_48 = tpu.memref_squeeze %dma_start3A_47 : memref<1x32xi32, #tpu.memory_space<vmem>> -> memref<32xi32, #tpu.memory_space<vmem>>
    %dma_start3A_49 = arith.constant 0 : i32
    %dma_start3A_50 = arith.constant 0 : i32
    %dma_start3A_51 = tpu.memref_slice %arg2[%dma_start3A_49, %dma_start3A_50] : memref<16384x1024xf32, #tpu.memory_space<hbm>> -> memref<16384x1024xf32, #tpu.memory_space<hbm>>
    tpu.enqueue_indirect_dma source(%dma_start3A_51 : memref<16384x1024xf32, #tpu.memory_space<hbm>>) target(%arg6 : memref<32x1024xf32, #tpu.memory_space<vmem>>) offsets(%dma_start3A_48 : memref<32xi32, #tpu.memory_space<vmem>>) semaphore(%arg9 : memref<!tpu.dma_semaphore, #tpu.memory_space<semaphore_mem>>)
    %dma_wait3A_52 = arith.constant 1 : i32
    %dma_wait3A_53 = arith.constant 0 : i32
    %dma_wait3A_54 = tpu.memref_slice %arg5[%dma_wait3A_52, %dma_wait3A_53] : memref<16x32xi32, #tpu.memory_space<vmem>> -> memref<1x32xi32, #tpu.memory_space<vmem>>
    %dma_wait3A_55 = tpu.memref_squeeze %dma_wait3A_54 : memref<1x32xi32, #tpu.memory_space<vmem>> -> memref<32xi32, #tpu.memory_space<vmem>>
    %dma_wait3A_56 = arith.constant 0 : i32
    %dma_wait3A_57 = arith.constant 0 : i32
    %dma_wait3A_58 = tpu.memref_slice %arg2[%dma_wait3A_56, %dma_wait3A_57] : memref<16384x1024xf32, #tpu.memory_space<hbm>> -> memref<16384x1024xf32, #tpu.memory_space<hbm>>
    tpu.wait_indirect_dma semaphore(%arg10 : memref<!tpu.dma_semaphore, #tpu.memory_space<semaphore_mem>>) src(%dma_wait3A_58 : memref<16384x1024xf32, #tpu.memory_space<hbm>>) dst(%arg7 : memref<32x1024xf32, #tpu.memory_space<vmem>>)
    %dma_start3A_59 = arith.constant 1 : i32
    %dma_start3A_60 = arith.constant 0 : i32
    %dma_start3A_61 = arith.constant 0 : i32
    %dma_start3A_62 = tpu.memref_slice %arg4[%add3A, %dma_start3A_59, %dma_start3A_60, %dma_start3A_61] : memref<32x16x32x1024xf32, #tpu.memory_space<hbm>> -> memref<1x1x32x1024xf32, #tpu.memory_space<hbm>>
    %dma_start3A_63 = tpu.memref_squeeze %dma_start3A_62 : memref<1x1x32x1024xf32, #tpu.memory_space<hbm>> -> memref<32x1024xf32, #tpu.memory_space<hbm>>
    %dma_start3A_64 = arith.constant 0 : i32
    %dma_start3A_65 = arith.constant 0 : i32
    %dma_start3A_66 = tpu.memref_slice %arg4[%add3A, %dma_start3A_59, %dma_start3A_64, %dma_start3A_65] : memref<32x16x32x1024xf32, #tpu.memory_space<hbm>> -> memref<1x1x32x1024xf32, #tpu.memory_space<hbm>>
    %dma_start3A_67 = tpu.memref_squeeze %dma_start3A_66 : memref<1x1x32x1024xf32, #tpu.memory_space<hbm>> -> memref<32x1024xf32, #tpu.memory_space<hbm>>
    tpu.enqueue_dma source(%arg7 : memref<32x1024xf32, #tpu.memory_space<vmem>>) target(%dma_start3A_67 : memref<32x1024xf32, #tpu.memory_space<hbm>>) target_semaphore(%arg13 : memref<!tpu.dma_semaphore, #tpu.memory_space<semaphore_mem>>)
    %dma_wait3A_68 = arith.constant 1 : i32
    %dma_wait3A_69 = arith.constant 0 : i32
    %dma_wait3A_70 = arith.constant 0 : i32
    %dma_wait3A_71 = tpu.memref_slice %arg4[%add3A, %dma_wait3A_68, %dma_wait3A_69, %dma_wait3A_70] : memref<32x16x32x1024xf32, #tpu.memory_space<hbm>> -> memref<1x1x32x1024xf32, #tpu.memory_space<hbm>>
    %dma_wait3A_72 = tpu.memref_squeeze %dma_wait3A_71 : memref<1x1x32x1024xf32, #tpu.memory_space<hbm>> -> memref<32x1024xf32, #tpu.memory_space<hbm>>
    %dma_wait3A_73 = arith.constant 0 : i32
    %dma_wait3A_74 = arith.constant 0 : i32
    %dma_wait3A_75 = tpu.memref_slice %arg4[%add3A, %dma_wait3A_68, %dma_wait3A_73, %dma_wait3A_74] : memref<32x16x32x1024xf32, #tpu.memory_space<hbm>> -> memref<1x1x32x1024xf32, #tpu.memory_space<hbm>>
    %dma_wait3A_76 = tpu.memref_squeeze %dma_wait3A_75 : memref<1x1x32x1024xf32, #tpu.memory_space<hbm>> -> memref<32x1024xf32, #tpu.memory_space<hbm>>
    tpu.wait_dma2 semaphore(%arg13 : memref<!tpu.dma_semaphore, #tpu.memory_space<semaphore_mem>>) src(%arg7 : memref<32x1024xf32, #tpu.memory_space<vmem>>) dst(%dma_wait3A_76 : memref<32x1024xf32, #tpu.memory_space<hbm>>)
    %dma_start3A_77 = arith.constant 4 : i32
    %dma_start3A_78 = arith.constant 0 : i32
    %dma_start3A_79 = tpu.memref_slice %arg5[%dma_start3A_77, %dma_start3A_78] : memref<16x32xi32, #tpu.memory_space<vmem>> -> memref<1x32xi32, #tpu.memory_space<vmem>>
    %dma_start3A_80 = tpu.memref_squeeze %dma_start3A_79 : memref<1x32xi32, #tpu.memory_space<vmem>> -> memref<32xi32, #tpu.memory_space<vmem>>
    %dma_start3A_81 = arith.constant 0 : i32
    %dma_start3A_82 = arith.constant 0 : i32
    %dma_start3A_83 = tpu.memref_slice %arg2[%dma_start3A_81, %dma_start3A_82] : memref<16384x1024xf32, #tpu.memory_space<hbm>> -> memref<16384x1024xf32, #tpu.memory_space<hbm>>
    tpu.enqueue_indirect_dma source(%dma_start3A_83 : memref<16384x1024xf32, #tpu.memory_space<hbm>>) target(%arg7 : memref<32x1024xf32, #tpu.memory_space<vmem>>) offsets(%dma_start3A_80 : memref<32xi32, #tpu.memory_space<vmem>>) semaphore(%arg10 : memref<!tpu.dma_semaphore, #tpu.memory_space<semaphore_mem>>)
    %dma_wait3A_84 = arith.constant 2 : i32
    %dma_wait3A_85 = arith.constant 0 : i32
    %dma_wait3A_86 = tpu.memref_slice %arg5[%dma_wait3A_84, %dma_wait3A_85] : memref<16x32xi32, #tpu.memory_space<vmem>> -> memref<1x32xi32, #tpu.memory_space<vmem>>
    %dma_wait3A_87 = tpu.memref_squeeze %dma_wait3A_86 : memref<1x32xi32, #tpu.memory_space<vmem>> -> memref<32xi32, #tpu.memory_space<vmem>>
    %dma_wait3A_88 = arith.constant 0 : i32
    %dma_wait3A_89 = arith.constant 0 : i32
    %dma_wait3A_90 = tpu.memref_slice %arg2[%dma_wait3A_88, %dma_wait3A_89] : memref<16384x1024xf32, #tpu.memory_space<hbm>> -> memref<16384x1024xf32, #tpu.memory_space<hbm>>
    tpu.wait_indirect_dma semaphore(%arg11 : memref<!tpu.dma_semaphore, #tpu.memory_space<semaphore_mem>>) src(%dma_wait3A_90 : memref<16384x1024xf32, #tpu.memory_space<hbm>>) dst(%arg8 : memref<32x1024xf32, #tpu.memory_space<vmem>>)
    %dma_start3A_91 = arith.constant 2 : i32
    %dma_start3A_92 = arith.constant 0 : i32
    %dma_start3A_93 = arith.constant 0 : i32
    %dma_start3A_94 = tpu.memref_slice %arg4[%add3A, %dma_start3A_91, %dma_start3A_92, %dma_start3A_93] : memref<32x16x32x1024xf32, #tpu.memory_space<hbm>> -> memref<1x1x32x1024xf32, #tpu.memory_space<hbm>>
    %dma_start3A_95 = tpu.memref_squeeze %dma_start3A_94 : memref<1x1x32x1024xf32, #tpu.memory_space<hbm>> -> memref<32x1024xf32, #tpu.memory_space<hbm>>
    %dma_start3A_96 = arith.constant 0 : i32
    %dma_start3A_97 = arith.constant 0 : i32
    %dma_start3A_98 = tpu.memref_slice %arg4[%add3A, %dma_start3A_91, %dma_start3A_96, %dma_start3A_97] : memref<32x16x32x1024xf32, #tpu.memory_space<hbm>> -> memref<1x1x32x1024xf32, #tpu.memory_space<hbm>>
    %dma_start3A_99 = tpu.memref_squeeze %dma_start3A_98 : memref<1x1x32x1024xf32, #tpu.memory_space<hbm>> -> memref<32x1024xf32, #tpu.memory_space<hbm>>
    tpu.enqueue_dma source(%arg8 : memref<32x1024xf32, #tpu.memory_space<vmem>>) target(%dma_start3A_99 : memref<32x1024xf32, #tpu.memory_space<hbm>>) target_semaphore(%arg14 : memref<!tpu.dma_semaphore, #tpu.memory_space<semaphore_mem>>)
    %dma_wait3A_100 = arith.constant 2 : i32
    %dma_wait3A_101 = arith.constant 0 : i32
    %dma_wait3A_102 = arith.constant 0 : i32
    %dma_wait3A_103 = tpu.memref_slice %arg4[%add3A, %dma_wait3A_100, %dma_wait3A_101, %dma_wait3A_102] : memref<32x16x32x1024xf32, #tpu.memory_space<hbm>> -> memref<1x1x32x1024xf32, #tpu.memory_space<hbm>>
    %dma_wait3A_104 = tpu.memref_squeeze %dma_wait3A_103 : memref<1x1x32x1024xf32, #tpu.memory_space<hbm>> -> memref<32x1024xf32, #tpu.memory_space<hbm>>
    %dma_wait3A_105 = arith.constant 0 : i32
    %dma_wait3A_106 = arith.constant 0 : i32
    %dma_wait3A_107 = tpu.memref_slice %arg4[%add3A, %dma_wait3A_100, %dma_wait3A_105, %dma_wait3A_106] : memref<32x16x32x1024xf32, #tpu.memory_space<hbm>> -> memref<1x1x32x1024xf32, #tpu.memory_space<hbm>>
    %dma_wait3A_108 = tpu.memref_squeeze %dma_wait3A_107 : memref<1x1x32x1024xf32, #tpu.memory_space<hbm>> -> memref<32x1024xf32, #tpu.memory_space<hbm>>
    tpu.wait_dma2 semaphore(%arg14 : memref<!tpu.dma_semaphore, #tpu.memory_space<semaphore_mem>>) src(%arg8 : memref<32x1024xf32, #tpu.memory_space<vmem>>) dst(%dma_wait3A_108 : memref<32x1024xf32, #tpu.memory_space<hbm>>)
    %dma_start3A_109 = arith.constant 5 : i32
    %dma_start3A_110 = arith.constant 0 : i32
    %dma_start3A_111 = tpu.memref_slice %arg5[%dma_start3A_109, %dma_start3A_110] : memref<16x32xi32, #tpu.memory_space<vmem>> -> memref<1x32xi32, #tpu.memory_space<vmem>>
    %dma_start3A_112 = tpu.memref_squeeze %dma_start3A_111 : memref<1x32xi32, #tpu.memory_space<vmem>> -> memref<32xi32, #tpu.memory_space<vmem>>
    %dma_start3A_113 = arith.constant 0 : i32
    %dma_start3A_114 = arith.constant 0 : i32
    %dma_start3A_115 = tpu.memref_slice %arg2[%dma_start3A_113, %dma_start3A_114] : memref<16384x1024xf32, #tpu.memory_space<hbm>> -> memref<16384x1024xf32, #tpu.memory_space<hbm>>
    tpu.enqueue_indirect_dma source(%dma_start3A_115 : memref<16384x1024xf32, #tpu.memory_space<hbm>>) target(%arg8 : memref<32x1024xf32, #tpu.memory_space<vmem>>) offsets(%dma_start3A_112 : memref<32xi32, #tpu.memory_space<vmem>>) semaphore(%arg11 : memref<!tpu.dma_semaphore, #tpu.memory_space<semaphore_mem>>)
    %dma_wait3A_116 = arith.constant 3 : i32
    %dma_wait3A_117 = arith.constant 0 : i32
    %dma_wait3A_118 = tpu.memref_slice %arg5[%dma_wait3A_116, %dma_wait3A_117] : memref<16x32xi32, #tpu.memory_space<vmem>> -> memref<1x32xi32, #tpu.memory_space<vmem>>
    %dma_wait3A_119 = tpu.memref_squeeze %dma_wait3A_118 : memref<1x32xi32, #tpu.memory_space<vmem>> -> memref<32xi32, #tpu.memory_space<vmem>>
    %dma_wait3A_120 = arith.constant 0 : i32
    %dma_wait3A_121 = arith.constant 0 : i32
    %dma_wait3A_122 = tpu.memref_slice %arg2[%dma_wait3A_120, %dma_wait3A_121] : memref<16384x1024xf32, #tpu.memory_space<hbm>> -> memref<16384x1024xf32, #tpu.memory_space<hbm>>
    tpu.wait_indirect_dma semaphore(%arg9 : memref<!tpu.dma_semaphore, #tpu.memory_space<semaphore_mem>>) src(%dma_wait3A_122 : memref<16384x1024xf32, #tpu.memory_space<hbm>>) dst(%arg6 : memref<32x1024xf32, #tpu.memory_space<vmem>>)
    %dma_start3A_123 = arith.constant 3 : i32
    %dma_start3A_124 = arith.constant 0 : i32
    %dma_start3A_125 = arith.constant 0 : i32
    %dma_start3A_126 = tpu.memref_slice %arg4[%add3A, %dma_start3A_123, %dma_start3A_124, %dma_start3A_125] : memref<32x16x32x1024xf32, #tpu.memory_space<hbm>> -> memref<1x1x32x1024xf32, #tpu.memory_space<hbm>>
    %dma_start3A_127 = tpu.memref_squeeze %dma_start3A_126 : memref<1x1x32x1024xf32, #tpu.memory_space<hbm>> -> memref<32x1024xf32, #tpu.memory_space<hbm>>
    %dma_start3A_128 = arith.constant 0 : i32
    %dma_start3A_129 = arith.constant 0 : i32
    %dma_start3A_130 = tpu.memref_slice %arg4[%add3A, %dma_start3A_123, %dma_start3A_128, %dma_start3A_129] : memref<32x16x32x1024xf32, #tpu.memory_space<hbm>> -> memref<1x1x32x1024xf32, #tpu.memory_space<hbm>>
    %dma_start3A_131 = tpu.memref_squeeze %dma_start3A_130 : memref<1x1x32x1024xf32, #tpu.memory_space<hbm>> -> memref<32x1024xf32, #tpu.memory_space<hbm>>
    tpu.enqueue_dma source(%arg6 : memref<32x1024xf32, #tpu.memory_space<vmem>>) target(%dma_start3A_131 : memref<32x1024xf32, #tpu.memory_space<hbm>>) target_semaphore(%arg12 : memref<!tpu.dma_semaphore, #tpu.memory_space<semaphore_mem>>)
    %dma_wait3A_132 = arith.constant 3 : i32
    %dma_wait3A_133 = arith.constant 0 : i32
    %dma_wait3A_134 = arith.constant 0 : i32
    %dma_wait3A_135 = tpu.memref_slice %arg4[%add3A, %dma_wait3A_132, %dma_wait3A_133, %dma_wait3A_134] : memref<32x16x32x1024xf32, #tpu.memory_space<hbm>> -> memref<1x1x32x1024xf32, #tpu.memory_space<hbm>>
    %dma_wait3A_136 = tpu.memref_squeeze %dma_wait3A_135 : memref<1x1x32x1024xf32, #tpu.memory_space<hbm>> -> memref<32x1024xf32, #tpu.memory_space<hbm>>
    %dma_wait3A_137 = arith.constant 0 : i32
    %dma_wait3A_138 = arith.constant 0 : i32
    %dma_wait3A_139 = tpu.memref_slice %arg4[%add3A, %dma_wait3A_132, %dma_wait3A_137, %dma_wait3A_138] : memref<32x16x32x1024xf32, #tpu.memory_space<hbm>> -> memref<1x1x32x1024xf32, #tpu.memory_space<hbm>>
    %dma_wait3A_140 = tpu.memref_squeeze %dma_wait3A_139 : memref<1x1x32x1024xf32, #tpu.memory_space<hbm>> -> memref<32x1024xf32, #tpu.memory_space<hbm>>
    tpu.wait_dma2 semaphore(%arg12 : memref<!tpu.dma_semaphore, #tpu.memory_space<semaphore_mem>>) src(%arg6 : memref<32x1024xf32, #tpu.memory_space<vmem>>) dst(%dma_wait3A_140 : memref<32x1024xf32, #tpu.memory_space<hbm>>)
    %dma_start3A_141 = arith.constant 6 : i32
    %dma_start3A_142 = arith.constant 0 : i32
    %dma_start3A_143 = tpu.memref_slice %arg5[%dma_start3A_141, %dma_start3A_142] : memref<16x32xi32, #tpu.memory_space<vmem>> -> memref<1x32xi32, #tpu.memory_space<vmem>>
    %dma_start3A_144 = tpu.memref_squeeze %dma_start3A_143 : memref<1x32xi32, #tpu.memory_space<vmem>> -> memref<32xi32, #tpu.memory_space<vmem>>
    %dma_start3A_145 = arith.constant 0 : i32
    %dma_start3A_146 = arith.constant 0 : i32
    %dma_start3A_147 = tpu.memref_slice %arg2[%dma_start3A_145, %dma_start3A_146] : memref<16384x1024xf32, #tpu.memory_space<hbm>> -> memref<16384x1024xf32, #tpu.memory_space<hbm>>
    tpu.enqueue_indirect_dma source(%dma_start3A_147 : memref<16384x1024xf32, #tpu.memory_space<hbm>>) target(%arg6 : memref<32x1024xf32, #tpu.memory_space<vmem>>) offsets(%dma_start3A_144 : memref<32xi32, #tpu.memory_space<vmem>>) semaphore(%arg9 : memref<!tpu.dma_semaphore, #tpu.memory_space<semaphore_mem>>)
    %dma_wait3A_148 = arith.constant 4 : i32
    %dma_wait3A_149 = arith.constant 0 : i32
    %dma_wait3A_150 = tpu.memref_slice %arg5[%dma_wait3A_148, %dma_wait3A_149] : memref<16x32xi32, #tpu.memory_space<vmem>> -> memref<1x32xi32, #tpu.memory_space<vmem>>
    %dma_wait3A_151 = tpu.memref_squeeze %dma_wait3A_150 : memref<1x32xi32, #tpu.memory_space<vmem>> -> memref<32xi32, #tpu.memory_space<vmem>>
    %dma_wait3A_152 = arith.constant 0 : i32
    %dma_wait3A_153 = arith.constant 0 : i32
    %dma_wait3A_154 = tpu.memref_slice %arg2[%dma_wait3A_152, %dma_wait3A_153] : memref<16384x1024xf32, #tpu.memory_space<hbm>> -> memref<16384x1024xf32, #tpu.memory_space<hbm>>
    tpu.wait_indirect_dma semaphore(%arg10 : memref<!tpu.dma_semaphore, #tpu.memory_space<semaphore_mem>>) src(%dma_wait3A_154 : memref<16384x1024xf32, #tpu.memory_space<hbm>>) dst(%arg7 : memref<32x1024xf32, #tpu.memory_space<vmem>>)
    %dma_start3A_155 = arith.constant 4 : i32
    %dma_start3A_156 = arith.constant 0 : i32
    %dma_start3A_157 = arith.constant 0 : i32
    %dma_start3A_158 = tpu.memref_slice %arg4[%add3A, %dma_start3A_155, %dma_start3A_156, %dma_start3A_157] : memref<32x16x32x1024xf32, #tpu.memory_space<hbm>> -> memref<1x1x32x1024xf32, #tpu.memory_space<hbm>>
    %dma_start3A_159 = tpu.memref_squeeze %dma_start3A_158 : memref<1x1x32x1024xf32, #tpu.memory_space<hbm>> -> memref<32x1024xf32, #tpu.memory_space<hbm>>
    %dma_start3A_160 = arith.constant 0 : i32
    %dma_start3A_161 = arith.constant 0 : i32
    %dma_start3A_162 = tpu.memref_slice %arg4[%add3A, %dma_start3A_155, %dma_start3A_160, %dma_start3A_161] : memref<32x16x32x1024xf32, #tpu.memory_space<hbm>> -> memref<1x1x32x1024xf32, #tpu.memory_space<hbm>>
    %dma_start3A_163 = tpu.memref_squeeze %dma_start3A_162 : memref<1x1x32x1024xf32, #tpu.memory_space<hbm>> -> memref<32x1024xf32, #tpu.memory_space<hbm>>
    tpu.enqueue_dma source(%arg7 : memref<32x1024xf32, #tpu.memory_space<vmem>>) target(%dma_start3A_163 : memref<32x1024xf32, #tpu.memory_space<hbm>>) target_semaphore(%arg13 : memref<!tpu.dma_semaphore, #tpu.memory_space<semaphore_mem>>)
    %dma_wait3A_164 = arith.constant 4 : i32
    %dma_wait3A_165 = arith.constant 0 : i32
    %dma_wait3A_166 = arith.constant 0 : i32
    %dma_wait3A_167 = tpu.memref_slice %arg4[%add3A, %dma_wait3A_164, %dma_wait3A_165, %dma_wait3A_166] : memref<32x16x32x1024xf32, #tpu.memory_space<hbm>> -> memref<1x1x32x1024xf32, #tpu.memory_space<hbm>>
    %dma_wait3A_168 = tpu.memref_squeeze %dma_wait3A_167 : memref<1x1x32x1024xf32, #tpu.memory_space<hbm>> -> memref<32x1024xf32, #tpu.memory_space<hbm>>
    %dma_wait3A_169 = arith.constant 0 : i32
    %dma_wait3A_170 = arith.constant 0 : i32
    %dma_wait3A_171 = tpu.memref_slice %arg4[%add3A, %dma_wait3A_164, %dma_wait3A_169, %dma_wait3A_170] : memref<32x16x32x1024xf32, #tpu.memory_space<hbm>> -> memref<1x1x32x1024xf32, #tpu.memory_space<hbm>>
    %dma_wait3A_172 = tpu.memref_squeeze %dma_wait3A_171 : memref<1x1x32x1024xf32, #tpu.memory_space<hbm>> -> memref<32x1024xf32, #tpu.memory_space<hbm>>
    tpu.wait_dma2 semaphore(%arg13 : memref<!tpu.dma_semaphore, #tpu.memory_space<semaphore_mem>>) src(%arg7 : memref<32x1024xf32, #tpu.memory_space<vmem>>) dst(%dma_wait3A_172 : memref<32x1024xf32, #tpu.memory_space<hbm>>)
    %dma_start3A_173 = arith.constant 7 : i32
    %dma_start3A_174 = arith.constant 0 : i32
    %dma_start3A_175 = tpu.memref_slice %arg5[%dma_start3A_173, %dma_start3A_174] : memref<16x32xi32, #tpu.memory_space<vmem>> -> memref<1x32xi32, #tpu.memory_space<vmem>>
    %dma_start3A_176 = tpu.memref_squeeze %dma_start3A_175 : memref<1x32xi32, #tpu.memory_space<vmem>> -> memref<32xi32, #tpu.memory_space<vmem>>
    %dma_start3A_177 = arith.constant 0 : i32
    %dma_start3A_178 = arith.constant 0 : i32
    %dma_start3A_179 = tpu.memref_slice %arg2[%dma_start3A_177, %dma_start3A_178] : memref<16384x1024xf32, #tpu.memory_space<hbm>> -> memref<16384x1024xf32, #tpu.memory_space<hbm>>
    tpu.enqueue_indirect_dma source(%dma_start3A_179 : memref<16384x1024xf32, #tpu.memory_space<hbm>>) target(%arg7 : memref<32x1024xf32, #tpu.memory_space<vmem>>) offsets(%dma_start3A_176 : memref<32xi32, #tpu.memory_space<vmem>>) semaphore(%arg10 : memref<!tpu.dma_semaphore, #tpu.memory_space<semaphore_mem>>)
    %dma_wait3A_180 = arith.constant 5 : i32
    %dma_wait3A_181 = arith.constant 0 : i32
    %dma_wait3A_182 = tpu.memref_slice %arg5[%dma_wait3A_180, %dma_wait3A_181] : memref<16x32xi32, #tpu.memory_space<vmem>> -> memref<1x32xi32, #tpu.memory_space<vmem>>
    %dma_wait3A_183 = tpu.memref_squeeze %dma_wait3A_182 : memref<1x32xi32, #tpu.memory_space<vmem>> -> memref<32xi32, #tpu.memory_space<vmem>>
    %dma_wait3A_184 = arith.constant 0 : i32
    %dma_wait3A_185 = arith.constant 0 : i32
    %dma_wait3A_186 = tpu.memref_slice %arg2[%dma_wait3A_184, %dma_wait3A_185] : memref<16384x1024xf32, #tpu.memory_space<hbm>> -> memref<16384x1024xf32, #tpu.memory_space<hbm>>
    tpu.wait_indirect_dma semaphore(%arg11 : memref<!tpu.dma_semaphore, #tpu.memory_space<semaphore_mem>>) src(%dma_wait3A_186 : memref<16384x1024xf32, #tpu.memory_space<hbm>>) dst(%arg8 : memref<32x1024xf32, #tpu.memory_space<vmem>>)
    %dma_start3A_187 = arith.constant 5 : i32
    %dma_start3A_188 = arith.constant 0 : i32
    %dma_start3A_189 = arith.constant 0 : i32
    %dma_start3A_190 = tpu.memref_slice %arg4[%add3A, %dma_start3A_187, %dma_start3A_188, %dma_start3A_189] : memref<32x16x32x1024xf32, #tpu.memory_space<hbm>> -> memref<1x1x32x1024xf32, #tpu.memory_space<hbm>>
    %dma_start3A_191 = tpu.memref_squeeze %dma_start3A_190 : memref<1x1x32x1024xf32, #tpu.memory_space<hbm>> -> memref<32x1024xf32, #tpu.memory_space<hbm>>
    %dma_start3A_192 = arith.constant 0 : i32
    %dma_start3A_193 = arith.constant 0 : i32
    %dma_start3A_194 = tpu.memref_slice %arg4[%add3A, %dma_start3A_187, %dma_start3A_192, %dma_start3A_193] : memref<32x16x32x1024xf32, #tpu.memory_space<hbm>> -> memref<1x1x32x1024xf32, #tpu.memory_space<hbm>>
    %dma_start3A_195 = tpu.memref_squeeze %dma_start3A_194 : memref<1x1x32x1024xf32, #tpu.memory_space<hbm>> -> memref<32x1024xf32, #tpu.memory_space<hbm>>
    tpu.enqueue_dma source(%arg8 : memref<32x1024xf32, #tpu.memory_space<vmem>>) target(%dma_start3A_195 : memref<32x1024xf32, #tpu.memory_space<hbm>>) target_semaphore(%arg14 : memref<!tpu.dma_semaphore, #tpu.memory_space<semaphore_mem>>)
    %dma_wait3A_196 = arith.constant 5 : i32
    %dma_wait3A_197 = arith.constant 0 : i32
    %dma_wait3A_198 = arith.constant 0 : i32
    %dma_wait3A_199 = tpu.memref_slice %arg4[%add3A, %dma_wait3A_196, %dma_wait3A_197, %dma_wait3A_198] : memref<32x16x32x1024xf32, #tpu.memory_space<hbm>> -> memref<1x1x32x1024xf32, #tpu.memory_space<hbm>>
    %dma_wait3A_200 = tpu.memref_squeeze %dma_wait3A_199 : memref<1x1x32x1024xf32, #tpu.memory_space<hbm>> -> memref<32x1024xf32, #tpu.memory_space<hbm>>
    %dma_wait3A_201 = arith.constant 0 : i32
    %dma_wait3A_202 = arith.constant 0 : i32
    %dma_wait3A_203 = tpu.memref_slice %arg4[%add3A, %dma_wait3A_196, %dma_wait3A_201, %dma_wait3A_202] : memref<32x16x32x1024xf32, #tpu.memory_space<hbm>> -> memref<1x1x32x1024xf32, #tpu.memory_space<hbm>>
    %dma_wait3A_204 = tpu.memref_squeeze %dma_wait3A_203 : memref<1x1x32x1024xf32, #tpu.memory_space<hbm>> -> memref<32x1024xf32, #tpu.memory_space<hbm>>
    tpu.wait_dma2 semaphore(%arg14 : memref<!tpu.dma_semaphore, #tpu.memory_space<semaphore_mem>>) src(%arg8 : memref<32x1024xf32, #tpu.memory_space<vmem>>) dst(%dma_wait3A_204 : memref<32x1024xf32, #tpu.memory_space<hbm>>)
    %dma_start3A_205 = arith.constant 8 : i32
    %dma_start3A_206 = arith.constant 0 : i32
    %dma_start3A_207 = tpu.memref_slice %arg5[%dma_start3A_205, %dma_start3A_206] : memref<16x32xi32, #tpu.memory_space<vmem>> -> memref<1x32xi32, #tpu.memory_space<vmem>>
    %dma_start3A_208 = tpu.memref_squeeze %dma_start3A_207 : memref<1x32xi32, #tpu.memory_space<vmem>> -> memref<32xi32, #tpu.memory_space<vmem>>
    %dma_start3A_209 = arith.constant 0 : i32
    %dma_start3A_210 = arith.constant 0 : i32
    %dma_start3A_211 = tpu.memref_slice %arg2[%dma_start3A_209, %dma_start3A_210] : memref<16384x1024xf32, #tpu.memory_space<hbm>> -> memref<16384x1024xf32, #tpu.memory_space<hbm>>
    tpu.enqueue_indirect_dma source(%dma_start3A_211 : memref<16384x1024xf32, #tpu.memory_space<hbm>>) target(%arg8 : memref<32x1024xf32, #tpu.memory_space<vmem>>) offsets(%dma_start3A_208 : memref<32xi32, #tpu.memory_space<vmem>>) semaphore(%arg11 : memref<!tpu.dma_semaphore, #tpu.memory_space<semaphore_mem>>)
    %dma_wait3A_212 = arith.constant 6 : i32
    %dma_wait3A_213 = arith.constant 0 : i32
    %dma_wait3A_214 = tpu.memref_slice %arg5[%dma_wait3A_212, %dma_wait3A_213] : memref<16x32xi32, #tpu.memory_space<vmem>> -> memref<1x32xi32, #tpu.memory_space<vmem>>
    %dma_wait3A_215 = tpu.memref_squeeze %dma_wait3A_214 : memref<1x32xi32, #tpu.memory_space<vmem>> -> memref<32xi32, #tpu.memory_space<vmem>>
    %dma_wait3A_216 = arith.constant 0 : i32
    %dma_wait3A_217 = arith.constant 0 : i32
    %dma_wait3A_218 = tpu.memref_slice %arg2[%dma_wait3A_216, %dma_wait3A_217] : memref<16384x1024xf32, #tpu.memory_space<hbm>> -> memref<16384x1024xf32, #tpu.memory_space<hbm>>
    tpu.wait_indirect_dma semaphore(%arg9 : memref<!tpu.dma_semaphore, #tpu.memory_space<semaphore_mem>>) src(%dma_wait3A_218 : memref<16384x1024xf32, #tpu.memory_space<hbm>>) dst(%arg6 : memref<32x1024xf32, #tpu.memory_space<vmem>>)
    %dma_start3A_219 = arith.constant 6 : i32
    %dma_start3A_220 = arith.constant 0 : i32
    %dma_start3A_221 = arith.constant 0 : i32
    %dma_start3A_222 = tpu.memref_slice %arg4[%add3A, %dma_start3A_219, %dma_start3A_220, %dma_start3A_221] : memref<32x16x32x1024xf32, #tpu.memory_space<hbm>> -> memref<1x1x32x1024xf32, #tpu.memory_space<hbm>>
    %dma_start3A_223 = tpu.memref_squeeze %dma_start3A_222 : memref<1x1x32x1024xf32, #tpu.memory_space<hbm>> -> memref<32x1024xf32, #tpu.memory_space<hbm>>
    %dma_start3A_224 = arith.constant 0 : i32
    %dma_start3A_225 = arith.constant 0 : i32
    %dma_start3A_226 = tpu.memref_slice %arg4[%add3A, %dma_start3A_219, %dma_start3A_224, %dma_start3A_225] : memref<32x16x32x1024xf32, #tpu.memory_space<hbm>> -> memref<1x1x32x1024xf32, #tpu.memory_space<hbm>>
    %dma_start3A_227 = tpu.memref_squeeze %dma_start3A_226 : memref<1x1x32x1024xf32, #tpu.memory_space<hbm>> -> memref<32x1024xf32, #tpu.memory_space<hbm>>
    tpu.enqueue_dma source(%arg6 : memref<32x1024xf32, #tpu.memory_space<vmem>>) target(%dma_start3A_227 : memref<32x1024xf32, #tpu.memory_space<hbm>>) target_semaphore(%arg12 : memref<!tpu.dma_semaphore, #tpu.memory_space<semaphore_mem>>)
    %dma_wait3A_228 = arith.constant 6 : i32
    %dma_wait3A_229 = arith.constant 0 : i32
    %dma_wait3A_230 = arith.constant 0 : i32
    %dma_wait3A_231 = tpu.memref_slice %arg4[%add3A, %dma_wait3A_228, %dma_wait3A_229, %dma_wait3A_230] : memref<32x16x32x1024xf32, #tpu.memory_space<hbm>> -> memref<1x1x32x1024xf32, #tpu.memory_space<hbm>>
    %dma_wait3A_232 = tpu.memref_squeeze %dma_wait3A_231 : memref<1x1x32x1024xf32, #tpu.memory_space<hbm>> -> memref<32x1024xf32, #tpu.memory_space<hbm>>
    %dma_wait3A_233 = arith.constant 0 : i32
    %dma_wait3A_234 = arith.constant 0 : i32
    %dma_wait3A_235 = tpu.memref_slice %arg4[%add3A, %dma_wait3A_228, %dma_wait3A_233, %dma_wait3A_234] : memref<32x16x32x1024xf32, #tpu.memory_space<hbm>> -> memref<1x1x32x1024xf32, #tpu.memory_space<hbm>>
    %dma_wait3A_236 = tpu.memref_squeeze %dma_wait3A_235 : memref<1x1x32x1024xf32, #tpu.memory_space<hbm>> -> memref<32x1024xf32, #tpu.memory_space<hbm>>
    tpu.wait_dma2 semaphore(%arg12 : memref<!tpu.dma_semaphore, #tpu.memory_space<semaphore_mem>>) src(%arg6 : memref<32x1024xf32, #tpu.memory_space<vmem>>) dst(%dma_wait3A_236 : memref<32x1024xf32, #tpu.memory_space<hbm>>)
    %dma_start3A_237 = arith.constant 9 : i32
    %dma_start3A_238 = arith.constant 0 : i32
    %dma_start3A_239 = tpu.memref_slice %arg5[%dma_start3A_237, %dma_start3A_238] : memref<16x32xi32, #tpu.memory_space<vmem>> -> memref<1x32xi32, #tpu.memory_space<vmem>>
    %dma_start3A_240 = tpu.memref_squeeze %dma_start3A_239 : memref<1x32xi32, #tpu.memory_space<vmem>> -> memref<32xi32, #tpu.memory_space<vmem>>
    %dma_start3A_241 = arith.constant 0 : i32
    %dma_start3A_242 = arith.constant 0 : i32
    %dma_start3A_243 = tpu.memref_slice %arg2[%dma_start3A_241, %dma_start3A_242] : memref<16384x1024xf32, #tpu.memory_space<hbm>> -> memref<16384x1024xf32, #tpu.memory_space<hbm>>
    tpu.enqueue_indirect_dma source(%dma_start3A_243 : memref<16384x1024xf32, #tpu.memory_space<hbm>>) target(%arg6 : memref<32x1024xf32, #tpu.memory_space<vmem>>) offsets(%dma_start3A_240 : memref<32xi32, #tpu.memory_space<vmem>>) semaphore(%arg9 : memref<!tpu.dma_semaphore, #tpu.memory_space<semaphore_mem>>)
    %dma_wait3A_244 = arith.constant 7 : i32
    %dma_wait3A_245 = arith.constant 0 : i32
    %dma_wait3A_246 = tpu.memref_slice %arg5[%dma_wait3A_244, %dma_wait3A_245] : memref<16x32xi32, #tpu.memory_space<vmem>> -> memref<1x32xi32, #tpu.memory_space<vmem>>
    %dma_wait3A_247 = tpu.memref_squeeze %dma_wait3A_246 : memref<1x32xi32, #tpu.memory_space<vmem>> -> memref<32xi32, #tpu.memory_space<vmem>>
    %dma_wait3A_248 = arith.constant 0 : i32
    %dma_wait3A_249 = arith.constant 0 : i32
    %dma_wait3A_250 = tpu.memref_slice %arg2[%dma_wait3A_248, %dma_wait3A_249] : memref<16384x1024xf32, #tpu.memory_space<hbm>> -> memref<16384x1024xf32, #tpu.memory_space<hbm>>
    tpu.wait_indirect_dma semaphore(%arg10 : memref<!tpu.dma_semaphore, #tpu.memory_space<semaphore_mem>>) src(%dma_wait3A_250 : memref<16384x1024xf32, #tpu.memory_space<hbm>>) dst(%arg7 : memref<32x1024xf32, #tpu.memory_space<vmem>>)
    %dma_start3A_251 = arith.constant 7 : i32
    %dma_start3A_252 = arith.constant 0 : i32
    %dma_start3A_253 = arith.constant 0 : i32
    %dma_start3A_254 = tpu.memref_slice %arg4[%add3A, %dma_start3A_251, %dma_start3A_252, %dma_start3A_253] : memref<32x16x32x1024xf32, #tpu.memory_space<hbm>> -> memref<1x1x32x1024xf32, #tpu.memory_space<hbm>>
    %dma_start3A_255 = tpu.memref_squeeze %dma_start3A_254 : memref<1x1x32x1024xf32, #tpu.memory_space<hbm>> -> memref<32x1024xf32, #tpu.memory_space<hbm>>
    %dma_start3A_256 = arith.constant 0 : i32
    %dma_start3A_257 = arith.constant 0 : i32
    %dma_start3A_258 = tpu.memref_slice %arg4[%add3A, %dma_start3A_251, %dma_start3A_256, %dma_start3A_257] : memref<32x16x32x1024xf32, #tpu.memory_space<hbm>> -> memref<1x1x32x1024xf32, #tpu.memory_space<hbm>>
    %dma_start3A_259 = tpu.memref_squeeze %dma_start3A_258 : memref<1x1x32x1024xf32, #tpu.memory_space<hbm>> -> memref<32x1024xf32, #tpu.memory_space<hbm>>
    tpu.enqueue_dma source(%arg7 : memref<32x1024xf32, #tpu.memory_space<vmem>>) target(%dma_start3A_259 : memref<32x1024xf32, #tpu.memory_space<hbm>>) target_semaphore(%arg13 : memref<!tpu.dma_semaphore, #tpu.memory_space<semaphore_mem>>)
    %dma_wait3A_260 = arith.constant 7 : i32
    %dma_wait3A_261 = arith.constant 0 : i32
    %dma_wait3A_262 = arith.constant 0 : i32
    %dma_wait3A_263 = tpu.memref_slice %arg4[%add3A, %dma_wait3A_260, %dma_wait3A_261, %dma_wait3A_262] : memref<32x16x32x1024xf32, #tpu.memory_space<hbm>> -> memref<1x1x32x1024xf32, #tpu.memory_space<hbm>>
    %dma_wait3A_264 = tpu.memref_squeeze %dma_wait3A_263 : memref<1x1x32x1024xf32, #tpu.memory_space<hbm>> -> memref<32x1024xf32, #tpu.memory_space<hbm>>
    %dma_wait3A_265 = arith.constant 0 : i32
    %dma_wait3A_266 = arith.constant 0 : i32
    %dma_wait3A_267 = tpu.memref_slice %arg4[%add3A, %dma_wait3A_260, %dma_wait3A_265, %dma_wait3A_266] : memref<32x16x32x1024xf32, #tpu.memory_space<hbm>> -> memref<1x1x32x1024xf32, #tpu.memory_space<hbm>>
    %dma_wait3A_268 = tpu.memref_squeeze %dma_wait3A_267 : memref<1x1x32x1024xf32, #tpu.memory_space<hbm>> -> memref<32x1024xf32, #tpu.memory_space<hbm>>
    tpu.wait_dma2 semaphore(%arg13 : memref<!tpu.dma_semaphore, #tpu.memory_space<semaphore_mem>>) src(%arg7 : memref<32x1024xf32, #tpu.memory_space<vmem>>) dst(%dma_wait3A_268 : memref<32x1024xf32, #tpu.memory_space<hbm>>)
    %dma_start3A_269 = arith.constant 10 : i32
    %dma_start3A_270 = arith.constant 0 : i32
    %dma_start3A_271 = tpu.memref_slice %arg5[%dma_start3A_269, %dma_start3A_270] : memref<16x32xi32, #tpu.memory_space<vmem>> -> memref<1x32xi32, #tpu.memory_space<vmem>>
    %dma_start3A_272 = tpu.memref_squeeze %dma_start3A_271 : memref<1x32xi32, #tpu.memory_space<vmem>> -> memref<32xi32, #tpu.memory_space<vmem>>
    %dma_start3A_273 = arith.constant 0 : i32
    %dma_start3A_274 = arith.constant 0 : i32
    %dma_start3A_275 = tpu.memref_slice %arg2[%dma_start3A_273, %dma_start3A_274] : memref<16384x1024xf32, #tpu.memory_space<hbm>> -> memref<16384x1024xf32, #tpu.memory_space<hbm>>
    tpu.enqueue_indirect_dma source(%dma_start3A_275 : memref<16384x1024xf32, #tpu.memory_space<hbm>>) target(%arg7 : memref<32x1024xf32, #tpu.memory_space<vmem>>) offsets(%dma_start3A_272 : memref<32xi32, #tpu.memory_space<vmem>>) semaphore(%arg10 : memref<!tpu.dma_semaphore, #tpu.memory_space<semaphore_mem>>)
    %dma_wait3A_276 = arith.constant 8 : i32
    %dma_wait3A_277 = arith.constant 0 : i32
    %dma_wait3A_278 = tpu.memref_slice %arg5[%dma_wait3A_276, %dma_wait3A_277] : memref<16x32xi32, #tpu.memory_space<vmem>> -> memref<1x32xi32, #tpu.memory_space<vmem>>
    %dma_wait3A_279 = tpu.memref_squeeze %dma_wait3A_278 : memref<1x32xi32, #tpu.memory_space<vmem>> -> memref<32xi32, #tpu.memory_space<vmem>>
    %dma_wait3A_280 = arith.constant 0 : i32
    %dma_wait3A_281 = arith.constant 0 : i32
    %dma_wait3A_282 = tpu.memref_slice %arg2[%dma_wait3A_280, %dma_wait3A_281] : memref<16384x1024xf32, #tpu.memory_space<hbm>> -> memref<16384x1024xf32, #tpu.memory_space<hbm>>
    tpu.wait_indirect_dma semaphore(%arg11 : memref<!tpu.dma_semaphore, #tpu.memory_space<semaphore_mem>>) src(%dma_wait3A_282 : memref<16384x1024xf32, #tpu.memory_space<hbm>>) dst(%arg8 : memref<32x1024xf32, #tpu.memory_space<vmem>>)
    %dma_start3A_283 = arith.constant 8 : i32
    %dma_start3A_284 = arith.constant 0 : i32
    %dma_start3A_285 = arith.constant 0 : i32
    %dma_start3A_286 = tpu.memref_slice %arg4[%add3A, %dma_start3A_283, %dma_start3A_284, %dma_start3A_285] : memref<32x16x32x1024xf32, #tpu.memory_space<hbm>> -> memref<1x1x32x1024xf32, #tpu.memory_space<hbm>>
    %dma_start3A_287 = tpu.memref_squeeze %dma_start3A_286 : memref<1x1x32x1024xf32, #tpu.memory_space<hbm>> -> memref<32x1024xf32, #tpu.memory_space<hbm>>
    %dma_start3A_288 = arith.constant 0 : i32
    %dma_start3A_289 = arith.constant 0 : i32
    %dma_start3A_290 = tpu.memref_slice %arg4[%add3A, %dma_start3A_283, %dma_start3A_288, %dma_start3A_289] : memref<32x16x32x1024xf32, #tpu.memory_space<hbm>> -> memref<1x1x32x1024xf32, #tpu.memory_space<hbm>>
    %dma_start3A_291 = tpu.memref_squeeze %dma_start3A_290 : memref<1x1x32x1024xf32, #tpu.memory_space<hbm>> -> memref<32x1024xf32, #tpu.memory_space<hbm>>
    tpu.enqueue_dma source(%arg8 : memref<32x1024xf32, #tpu.memory_space<vmem>>) target(%dma_start3A_291 : memref<32x1024xf32, #tpu.memory_space<hbm>>) target_semaphore(%arg14 : memref<!tpu.dma_semaphore, #tpu.memory_space<semaphore_mem>>)
    %dma_wait3A_292 = arith.constant 8 : i32
    %dma_wait3A_293 = arith.constant 0 : i32
    %dma_wait3A_294 = arith.constant 0 : i32
    %dma_wait3A_295 = tpu.memref_slice %arg4[%add3A, %dma_wait3A_292, %dma_wait3A_293, %dma_wait3A_294] : memref<32x16x32x1024xf32, #tpu.memory_space<hbm>> -> memref<1x1x32x1024xf32, #tpu.memory_space<hbm>>
    %dma_wait3A_296 = tpu.memref_squeeze %dma_wait3A_295 : memref<1x1x32x1024xf32, #tpu.memory_space<hbm>> -> memref<32x1024xf32, #tpu.memory_space<hbm>>
    %dma_wait3A_297 = arith.constant 0 : i32
    %dma_wait3A_298 = arith.constant 0 : i32
    %dma_wait3A_299 = tpu.memref_slice %arg4[%add3A, %dma_wait3A_292, %dma_wait3A_297, %dma_wait3A_298] : memref<32x16x32x1024xf32, #tpu.memory_space<hbm>> -> memref<1x1x32x1024xf32, #tpu.memory_space<hbm>>
    %dma_wait3A_300 = tpu.memref_squeeze %dma_wait3A_299 : memref<1x1x32x1024xf32, #tpu.memory_space<hbm>> -> memref<32x1024xf32, #tpu.memory_space<hbm>>
    tpu.wait_dma2 semaphore(%arg14 : memref<!tpu.dma_semaphore, #tpu.memory_space<semaphore_mem>>) src(%arg8 : memref<32x1024xf32, #tpu.memory_space<vmem>>) dst(%dma_wait3A_300 : memref<32x1024xf32, #tpu.memory_space<hbm>>)
    %dma_start3A_301 = arith.constant 11 : i32
    %dma_start3A_302 = arith.constant 0 : i32
    %dma_start3A_303 = tpu.memref_slice %arg5[%dma_start3A_301, %dma_start3A_302] : memref<16x32xi32, #tpu.memory_space<vmem>> -> memref<1x32xi32, #tpu.memory_space<vmem>>
    %dma_start3A_304 = tpu.memref_squeeze %dma_start3A_303 : memref<1x32xi32, #tpu.memory_space<vmem>> -> memref<32xi32, #tpu.memory_space<vmem>>
    %dma_start3A_305 = arith.constant 0 : i32
    %dma_start3A_306 = arith.constant 0 : i32
    %dma_start3A_307 = tpu.memref_slice %arg2[%dma_start3A_305, %dma_start3A_306] : memref<16384x1024xf32, #tpu.memory_space<hbm>> -> memref<16384x1024xf32, #tpu.memory_space<hbm>>
    tpu.enqueue_indirect_dma source(%dma_start3A_307 : memref<16384x1024xf32, #tpu.memory_space<hbm>>) target(%arg8 : memref<32x1024xf32, #tpu.memory_space<vmem>>) offsets(%dma_start3A_304 : memref<32xi32, #tpu.memory_space<vmem>>) semaphore(%arg11 : memref<!tpu.dma_semaphore, #tpu.memory_space<semaphore_mem>>)
    %dma_wait3A_308 = arith.constant 9 : i32
    %dma_wait3A_309 = arith.constant 0 : i32
    %dma_wait3A_310 = tpu.memref_slice %arg5[%dma_wait3A_308, %dma_wait3A_309] : memref<16x32xi32, #tpu.memory_space<vmem>> -> memref<1x32xi32, #tpu.memory_space<vmem>>
    %dma_wait3A_311 = tpu.memref_squeeze %dma_wait3A_310 : memref<1x32xi32, #tpu.memory_space<vmem>> -> memref<32xi32, #tpu.memory_space<vmem>>
    %dma_wait3A_312 = arith.constant 0 : i32
    %dma_wait3A_313 = arith.constant 0 : i32
    %dma_wait3A_314 = tpu.memref_slice %arg2[%dma_wait3A_312, %dma_wait3A_313] : memref<16384x1024xf32, #tpu.memory_space<hbm>> -> memref<16384x1024xf32, #tpu.memory_space<hbm>>
    tpu.wait_indirect_dma semaphore(%arg9 : memref<!tpu.dma_semaphore, #tpu.memory_space<semaphore_mem>>) src(%dma_wait3A_314 : memref<16384x1024xf32, #tpu.memory_space<hbm>>) dst(%arg6 : memref<32x1024xf32, #tpu.memory_space<vmem>>)
    %dma_start3A_315 = arith.constant 9 : i32
    %dma_start3A_316 = arith.constant 0 : i32
    %dma_start3A_317 = arith.constant 0 : i32
    %dma_start3A_318 = tpu.memref_slice %arg4[%add3A, %dma_start3A_315, %dma_start3A_316, %dma_start3A_317] : memref<32x16x32x1024xf32, #tpu.memory_space<hbm>> -> memref<1x1x32x1024xf32, #tpu.memory_space<hbm>>
    %dma_start3A_319 = tpu.memref_squeeze %dma_start3A_318 : memref<1x1x32x1024xf32, #tpu.memory_space<hbm>> -> memref<32x1024xf32, #tpu.memory_space<hbm>>
    %dma_start3A_320 = arith.constant 0 : i32
    %dma_start3A_321 = arith.constant 0 : i32
    %dma_start3A_322 = tpu.memref_slice %arg4[%add3A, %dma_start3A_315, %dma_start3A_320, %dma_start3A_321] : memref<32x16x32x1024xf32, #tpu.memory_space<hbm>> -> memref<1x1x32x1024xf32, #tpu.memory_space<hbm>>
    %dma_start3A_323 = tpu.memref_squeeze %dma_start3A_322 : memref<1x1x32x1024xf32, #tpu.memory_space<hbm>> -> memref<32x1024xf32, #tpu.memory_space<hbm>>
    tpu.enqueue_dma source(%arg6 : memref<32x1024xf32, #tpu.memory_space<vmem>>) target(%dma_start3A_323 : memref<32x1024xf32, #tpu.memory_space<hbm>>) target_semaphore(%arg12 : memref<!tpu.dma_semaphore, #tpu.memory_space<semaphore_mem>>)
    %dma_wait3A_324 = arith.constant 9 : i32
    %dma_wait3A_325 = arith.constant 0 : i32
    %dma_wait3A_326 = arith.constant 0 : i32
    %dma_wait3A_327 = tpu.memref_slice %arg4[%add3A, %dma_wait3A_324, %dma_wait3A_325, %dma_wait3A_326] : memref<32x16x32x1024xf32, #tpu.memory_space<hbm>> -> memref<1x1x32x1024xf32, #tpu.memory_space<hbm>>
    %dma_wait3A_328 = tpu.memref_squeeze %dma_wait3A_327 : memref<1x1x32x1024xf32, #tpu.memory_space<hbm>> -> memref<32x1024xf32, #tpu.memory_space<hbm>>
    %dma_wait3A_329 = arith.constant 0 : i32
    %dma_wait3A_330 = arith.constant 0 : i32
    %dma_wait3A_331 = tpu.memref_slice %arg4[%add3A, %dma_wait3A_324, %dma_wait3A_329, %dma_wait3A_330] : memref<32x16x32x1024xf32, #tpu.memory_space<hbm>> -> memref<1x1x32x1024xf32, #tpu.memory_space<hbm>>
    %dma_wait3A_332 = tpu.memref_squeeze %dma_wait3A_331 : memref<1x1x32x1024xf32, #tpu.memory_space<hbm>> -> memref<32x1024xf32, #tpu.memory_space<hbm>>
    tpu.wait_dma2 semaphore(%arg12 : memref<!tpu.dma_semaphore, #tpu.memory_space<semaphore_mem>>) src(%arg6 : memref<32x1024xf32, #tpu.memory_space<vmem>>) dst(%dma_wait3A_332 : memref<32x1024xf32, #tpu.memory_space<hbm>>)
    %dma_start3A_333 = arith.constant 12 : i32
    %dma_start3A_334 = arith.constant 0 : i32
    %dma_start3A_335 = tpu.memref_slice %arg5[%dma_start3A_333, %dma_start3A_334] : memref<16x32xi32, #tpu.memory_space<vmem>> -> memref<1x32xi32, #tpu.memory_space<vmem>>
    %dma_start3A_336 = tpu.memref_squeeze %dma_start3A_335 : memref<1x32xi32, #tpu.memory_space<vmem>> -> memref<32xi32, #tpu.memory_space<vmem>>
    %dma_start3A_337 = arith.constant 0 : i32
    %dma_start3A_338 = arith.constant 0 : i32
    %dma_start3A_339 = tpu.memref_slice %arg2[%dma_start3A_337, %dma_start3A_338] : memref<16384x1024xf32, #tpu.memory_space<hbm>> -> memref<16384x1024xf32, #tpu.memory_space<hbm>>
    tpu.enqueue_indirect_dma source(%dma_start3A_339 : memref<16384x1024xf32, #tpu.memory_space<hbm>>) target(%arg6 : memref<32x1024xf32, #tpu.memory_space<vmem>>) offsets(%dma_start3A_336 : memref<32xi32, #tpu.memory_space<vmem>>) semaphore(%arg9 : memref<!tpu.dma_semaphore, #tpu.memory_space<semaphore_mem>>)
    %dma_wait3A_340 = arith.constant 10 : i32
    %dma_wait3A_341 = arith.constant 0 : i32
    %dma_wait3A_342 = tpu.memref_slice %arg5[%dma_wait3A_340, %dma_wait3A_341] : memref<16x32xi32, #tpu.memory_space<vmem>> -> memref<1x32xi32, #tpu.memory_space<vmem>>
    %dma_wait3A_343 = tpu.memref_squeeze %dma_wait3A_342 : memref<1x32xi32, #tpu.memory_space<vmem>> -> memref<32xi32, #tpu.memory_space<vmem>>
    %dma_wait3A_344 = arith.constant 0 : i32
    %dma_wait3A_345 = arith.constant 0 : i32
    %dma_wait3A_346 = tpu.memref_slice %arg2[%dma_wait3A_344, %dma_wait3A_345] : memref<16384x1024xf32, #tpu.memory_space<hbm>> -> memref<16384x1024xf32, #tpu.memory_space<hbm>>
    tpu.wait_indirect_dma semaphore(%arg10 : memref<!tpu.dma_semaphore, #tpu.memory_space<semaphore_mem>>) src(%dma_wait3A_346 : memref<16384x1024xf32, #tpu.memory_space<hbm>>) dst(%arg7 : memref<32x1024xf32, #tpu.memory_space<vmem>>)
    %dma_start3A_347 = arith.constant 10 : i32
    %dma_start3A_348 = arith.constant 0 : i32
    %dma_start3A_349 = arith.constant 0 : i32
    %dma_start3A_350 = tpu.memref_slice %arg4[%add3A, %dma_start3A_347, %dma_start3A_348, %dma_start3A_349] : memref<32x16x32x1024xf32, #tpu.memory_space<hbm>> -> memref<1x1x32x1024xf32, #tpu.memory_space<hbm>>
    %dma_start3A_351 = tpu.memref_squeeze %dma_start3A_350 : memref<1x1x32x1024xf32, #tpu.memory_space<hbm>> -> memref<32x1024xf32, #tpu.memory_space<hbm>>
    %dma_start3A_352 = arith.constant 0 : i32
    %dma_start3A_353 = arith.constant 0 : i32
    %dma_start3A_354 = tpu.memref_slice %arg4[%add3A, %dma_start3A_347, %dma_start3A_352, %dma_start3A_353] : memref<32x16x32x1024xf32, #tpu.memory_space<hbm>> -> memref<1x1x32x1024xf32, #tpu.memory_space<hbm>>
    %dma_start3A_355 = tpu.memref_squeeze %dma_start3A_354 : memref<1x1x32x1024xf32, #tpu.memory_space<hbm>> -> memref<32x1024xf32, #tpu.memory_space<hbm>>
    tpu.enqueue_dma source(%arg7 : memref<32x1024xf32, #tpu.memory_space<vmem>>) target(%dma_start3A_355 : memref<32x1024xf32, #tpu.memory_space<hbm>>) target_semaphore(%arg13 : memref<!tpu.dma_semaphore, #tpu.memory_space<semaphore_mem>>)
    %dma_wait3A_356 = arith.constant 10 : i32
    %dma_wait3A_357 = arith.constant 0 : i32
    %dma_wait3A_358 = arith.constant 0 : i32
    %dma_wait3A_359 = tpu.memref_slice %arg4[%add3A, %dma_wait3A_356, %dma_wait3A_357, %dma_wait3A_358] : memref<32x16x32x1024xf32, #tpu.memory_space<hbm>> -> memref<1x1x32x1024xf32, #tpu.memory_space<hbm>>
    %dma_wait3A_360 = tpu.memref_squeeze %dma_wait3A_359 : memref<1x1x32x1024xf32, #tpu.memory_space<hbm>> -> memref<32x1024xf32, #tpu.memory_space<hbm>>
    %dma_wait3A_361 = arith.constant 0 : i32
    %dma_wait3A_362 = arith.constant 0 : i32
    %dma_wait3A_363 = tpu.memref_slice %arg4[%add3A, %dma_wait3A_356, %dma_wait3A_361, %dma_wait3A_362] : memref<32x16x32x1024xf32, #tpu.memory_space<hbm>> -> memref<1x1x32x1024xf32, #tpu.memory_space<hbm>>
    %dma_wait3A_364 = tpu.memref_squeeze %dma_wait3A_363 : memref<1x1x32x1024xf32, #tpu.memory_space<hbm>> -> memref<32x1024xf32, #tpu.memory_space<hbm>>
    tpu.wait_dma2 semaphore(%arg13 : memref<!tpu.dma_semaphore, #tpu.memory_space<semaphore_mem>>) src(%arg7 : memref<32x1024xf32, #tpu.memory_space<vmem>>) dst(%dma_wait3A_364 : memref<32x1024xf32, #tpu.memory_space<hbm>>)
    %dma_start3A_365 = arith.constant 13 : i32
    %dma_start3A_366 = arith.constant 0 : i32
    %dma_start3A_367 = tpu.memref_slice %arg5[%dma_start3A_365, %dma_start3A_366] : memref<16x32xi32, #tpu.memory_space<vmem>> -> memref<1x32xi32, #tpu.memory_space<vmem>>
    %dma_start3A_368 = tpu.memref_squeeze %dma_start3A_367 : memref<1x32xi32, #tpu.memory_space<vmem>> -> memref<32xi32, #tpu.memory_space<vmem>>
    %dma_start3A_369 = arith.constant 0 : i32
    %dma_start3A_370 = arith.constant 0 : i32
    %dma_start3A_371 = tpu.memref_slice %arg2[%dma_start3A_369, %dma_start3A_370] : memref<16384x1024xf32, #tpu.memory_space<hbm>> -> memref<16384x1024xf32, #tpu.memory_space<hbm>>
    tpu.enqueue_indirect_dma source(%dma_start3A_371 : memref<16384x1024xf32, #tpu.memory_space<hbm>>) target(%arg7 : memref<32x1024xf32, #tpu.memory_space<vmem>>) offsets(%dma_start3A_368 : memref<32xi32, #tpu.memory_space<vmem>>) semaphore(%arg10 : memref<!tpu.dma_semaphore, #tpu.memory_space<semaphore_mem>>)
    %dma_wait3A_372 = arith.constant 11 : i32
    %dma_wait3A_373 = arith.constant 0 : i32
    %dma_wait3A_374 = tpu.memref_slice %arg5[%dma_wait3A_372, %dma_wait3A_373] : memref<16x32xi32, #tpu.memory_space<vmem>> -> memref<1x32xi32, #tpu.memory_space<vmem>>
    %dma_wait3A_375 = tpu.memref_squeeze %dma_wait3A_374 : memref<1x32xi32, #tpu.memory_space<vmem>> -> memref<32xi32, #tpu.memory_space<vmem>>
    %dma_wait3A_376 = arith.constant 0 : i32
    %dma_wait3A_377 = arith.constant 0 : i32
    %dma_wait3A_378 = tpu.memref_slice %arg2[%dma_wait3A_376, %dma_wait3A_377] : memref<16384x1024xf32, #tpu.memory_space<hbm>> -> memref<16384x1024xf32, #tpu.memory_space<hbm>>
    tpu.wait_indirect_dma semaphore(%arg11 : memref<!tpu.dma_semaphore, #tpu.memory_space<semaphore_mem>>) src(%dma_wait3A_378 : memref<16384x1024xf32, #tpu.memory_space<hbm>>) dst(%arg8 : memref<32x1024xf32, #tpu.memory_space<vmem>>)
    %dma_start3A_379 = arith.constant 11 : i32
    %dma_start3A_380 = arith.constant 0 : i32
    %dma_start3A_381 = arith.constant 0 : i32
    %dma_start3A_382 = tpu.memref_slice %arg4[%add3A, %dma_start3A_379, %dma_start3A_380, %dma_start3A_381] : memref<32x16x32x1024xf32, #tpu.memory_space<hbm>> -> memref<1x1x32x1024xf32, #tpu.memory_space<hbm>>
    %dma_start3A_383 = tpu.memref_squeeze %dma_start3A_382 : memref<1x1x32x1024xf32, #tpu.memory_space<hbm>> -> memref<32x1024xf32, #tpu.memory_space<hbm>>
    %dma_start3A_384 = arith.constant 0 : i32
    %dma_start3A_385 = arith.constant 0 : i32
    %dma_start3A_386 = tpu.memref_slice %arg4[%add3A, %dma_start3A_379, %dma_start3A_384, %dma_start3A_385] : memref<32x16x32x1024xf32, #tpu.memory_space<hbm>> -> memref<1x1x32x1024xf32, #tpu.memory_space<hbm>>
    %dma_start3A_387 = tpu.memref_squeeze %dma_start3A_386 : memref<1x1x32x1024xf32, #tpu.memory_space<hbm>> -> memref<32x1024xf32, #tpu.memory_space<hbm>>
    tpu.enqueue_dma source(%arg8 : memref<32x1024xf32, #tpu.memory_space<vmem>>) target(%dma_start3A_387 : memref<32x1024xf32, #tpu.memory_space<hbm>>) target_semaphore(%arg14 : memref<!tpu.dma_semaphore, #tpu.memory_space<semaphore_mem>>)
    %dma_wait3A_388 = arith.constant 11 : i32
    %dma_wait3A_389 = arith.constant 0 : i32
    %dma_wait3A_390 = arith.constant 0 : i32
    %dma_wait3A_391 = tpu.memref_slice %arg4[%add3A, %dma_wait3A_388, %dma_wait3A_389, %dma_wait3A_390] : memref<32x16x32x1024xf32, #tpu.memory_space<hbm>> -> memref<1x1x32x1024xf32, #tpu.memory_space<hbm>>
    %dma_wait3A_392 = tpu.memref_squeeze %dma_wait3A_391 : memref<1x1x32x1024xf32, #tpu.memory_space<hbm>> -> memref<32x1024xf32, #tpu.memory_space<hbm>>
    %dma_wait3A_393 = arith.constant 0 : i32
    %dma_wait3A_394 = arith.constant 0 : i32
    %dma_wait3A_395 = tpu.memref_slice %arg4[%add3A, %dma_wait3A_388, %dma_wait3A_393, %dma_wait3A_394] : memref<32x16x32x1024xf32, #tpu.memory_space<hbm>> -> memref<1x1x32x1024xf32, #tpu.memory_space<hbm>>
    %dma_wait3A_396 = tpu.memref_squeeze %dma_wait3A_395 : memref<1x1x32x1024xf32, #tpu.memory_space<hbm>> -> memref<32x1024xf32, #tpu.memory_space<hbm>>
    tpu.wait_dma2 semaphore(%arg14 : memref<!tpu.dma_semaphore, #tpu.memory_space<semaphore_mem>>) src(%arg8 : memref<32x1024xf32, #tpu.memory_space<vmem>>) dst(%dma_wait3A_396 : memref<32x1024xf32, #tpu.memory_space<hbm>>)
    %dma_start3A_397 = arith.constant 14 : i32
    %dma_start3A_398 = arith.constant 0 : i32
    %dma_start3A_399 = tpu.memref_slice %arg5[%dma_start3A_397, %dma_start3A_398] : memref<16x32xi32, #tpu.memory_space<vmem>> -> memref<1x32xi32, #tpu.memory_space<vmem>>
    %dma_start3A_400 = tpu.memref_squeeze %dma_start3A_399 : memref<1x32xi32, #tpu.memory_space<vmem>> -> memref<32xi32, #tpu.memory_space<vmem>>
    %dma_start3A_401 = arith.constant 0 : i32
    %dma_start3A_402 = arith.constant 0 : i32
    %dma_start3A_403 = tpu.memref_slice %arg2[%dma_start3A_401, %dma_start3A_402] : memref<16384x1024xf32, #tpu.memory_space<hbm>> -> memref<16384x1024xf32, #tpu.memory_space<hbm>>
    tpu.enqueue_indirect_dma source(%dma_start3A_403 : memref<16384x1024xf32, #tpu.memory_space<hbm>>) target(%arg8 : memref<32x1024xf32, #tpu.memory_space<vmem>>) offsets(%dma_start3A_400 : memref<32xi32, #tpu.memory_space<vmem>>) semaphore(%arg11 : memref<!tpu.dma_semaphore, #tpu.memory_space<semaphore_mem>>)
    %dma_wait3A_404 = arith.constant 12 : i32
    %dma_wait3A_405 = arith.constant 0 : i32
    %dma_wait3A_406 = tpu.memref_slice %arg5[%dma_wait3A_404, %dma_wait3A_405] : memref<16x32xi32, #tpu.memory_space<vmem>> -> memref<1x32xi32, #tpu.memory_space<vmem>>
    %dma_wait3A_407 = tpu.memref_squeeze %dma_wait3A_406 : memref<1x32xi32, #tpu.memory_space<vmem>> -> memref<32xi32, #tpu.memory_space<vmem>>
    %dma_wait3A_408 = arith.constant 0 : i32
    %dma_wait3A_409 = arith.constant 0 : i32
    %dma_wait3A_410 = tpu.memref_slice %arg2[%dma_wait3A_408, %dma_wait3A_409] : memref<16384x1024xf32, #tpu.memory_space<hbm>> -> memref<16384x1024xf32, #tpu.memory_space<hbm>>
    tpu.wait_indirect_dma semaphore(%arg9 : memref<!tpu.dma_semaphore, #tpu.memory_space<semaphore_mem>>) src(%dma_wait3A_410 : memref<16384x1024xf32, #tpu.memory_space<hbm>>) dst(%arg6 : memref<32x1024xf32, #tpu.memory_space<vmem>>)
    %dma_start3A_411 = arith.constant 12 : i32
    %dma_start3A_412 = arith.constant 0 : i32
    %dma_start3A_413 = arith.constant 0 : i32
    %dma_start3A_414 = tpu.memref_slice %arg4[%add3A, %dma_start3A_411, %dma_start3A_412, %dma_start3A_413] : memref<32x16x32x1024xf32, #tpu.memory_space<hbm>> -> memref<1x1x32x1024xf32, #tpu.memory_space<hbm>>
    %dma_start3A_415 = tpu.memref_squeeze %dma_start3A_414 : memref<1x1x32x1024xf32, #tpu.memory_space<hbm>> -> memref<32x1024xf32, #tpu.memory_space<hbm>>
    %dma_start3A_416 = arith.constant 0 : i32
    %dma_start3A_417 = arith.constant 0 : i32
    %dma_start3A_418 = tpu.memref_slice %arg4[%add3A, %dma_start3A_411, %dma_start3A_416, %dma_start3A_417] : memref<32x16x32x1024xf32, #tpu.memory_space<hbm>> -> memref<1x1x32x1024xf32, #tpu.memory_space<hbm>>
    %dma_start3A_419 = tpu.memref_squeeze %dma_start3A_418 : memref<1x1x32x1024xf32, #tpu.memory_space<hbm>> -> memref<32x1024xf32, #tpu.memory_space<hbm>>
    tpu.enqueue_dma source(%arg6 : memref<32x1024xf32, #tpu.memory_space<vmem>>) target(%dma_start3A_419 : memref<32x1024xf32, #tpu.memory_space<hbm>>) target_semaphore(%arg12 : memref<!tpu.dma_semaphore, #tpu.memory_space<semaphore_mem>>)
    %dma_wait3A_420 = arith.constant 12 : i32
    %dma_wait3A_421 = arith.constant 0 : i32
    %dma_wait3A_422 = arith.constant 0 : i32
    %dma_wait3A_423 = tpu.memref_slice %arg4[%add3A, %dma_wait3A_420, %dma_wait3A_421, %dma_wait3A_422] : memref<32x16x32x1024xf32, #tpu.memory_space<hbm>> -> memref<1x1x32x1024xf32, #tpu.memory_space<hbm>>
    %dma_wait3A_424 = tpu.memref_squeeze %dma_wait3A_423 : memref<1x1x32x1024xf32, #tpu.memory_space<hbm>> -> memref<32x1024xf32, #tpu.memory_space<hbm>>
    %dma_wait3A_425 = arith.constant 0 : i32
    %dma_wait3A_426 = arith.constant 0 : i32
    %dma_wait3A_427 = tpu.memref_slice %arg4[%add3A, %dma_wait3A_420, %dma_wait3A_425, %dma_wait3A_426] : memref<32x16x32x1024xf32, #tpu.memory_space<hbm>> -> memref<1x1x32x1024xf32, #tpu.memory_space<hbm>>
    %dma_wait3A_428 = tpu.memref_squeeze %dma_wait3A_427 : memref<1x1x32x1024xf32, #tpu.memory_space<hbm>> -> memref<32x1024xf32, #tpu.memory_space<hbm>>
    tpu.wait_dma2 semaphore(%arg12 : memref<!tpu.dma_semaphore, #tpu.memory_space<semaphore_mem>>) src(%arg6 : memref<32x1024xf32, #tpu.memory_space<vmem>>) dst(%dma_wait3A_428 : memref<32x1024xf32, #tpu.memory_space<hbm>>)
    %dma_start3A_429 = arith.constant 15 : i32
    %dma_start3A_430 = arith.constant 0 : i32
    %dma_start3A_431 = tpu.memref_slice %arg5[%dma_start3A_429, %dma_start3A_430] : memref<16x32xi32, #tpu.memory_space<vmem>> -> memref<1x32xi32, #tpu.memory_space<vmem>>
    %dma_start3A_432 = tpu.memref_squeeze %dma_start3A_431 : memref<1x32xi32, #tpu.memory_space<vmem>> -> memref<32xi32, #tpu.memory_space<vmem>>
    %dma_start3A_433 = arith.constant 0 : i32
    %dma_start3A_434 = arith.constant 0 : i32
    %dma_start3A_435 = tpu.memref_slice %arg2[%dma_start3A_433, %dma_start3A_434] : memref<16384x1024xf32, #tpu.memory_space<hbm>> -> memref<16384x1024xf32, #tpu.memory_space<hbm>>
    tpu.enqueue_indirect_dma source(%dma_start3A_435 : memref<16384x1024xf32, #tpu.memory_space<hbm>>) target(%arg6 : memref<32x1024xf32, #tpu.memory_space<vmem>>) offsets(%dma_start3A_432 : memref<32xi32, #tpu.memory_space<vmem>>) semaphore(%arg9 : memref<!tpu.dma_semaphore, #tpu.memory_space<semaphore_mem>>)
    %dma_wait3A_436 = arith.constant 13 : i32
    %dma_wait3A_437 = arith.constant 0 : i32
    %dma_wait3A_438 = tpu.memref_slice %arg5[%dma_wait3A_436, %dma_wait3A_437] : memref<16x32xi32, #tpu.memory_space<vmem>> -> memref<1x32xi32, #tpu.memory_space<vmem>>
    %dma_wait3A_439 = tpu.memref_squeeze %dma_wait3A_438 : memref<1x32xi32, #tpu.memory_space<vmem>> -> memref<32xi32, #tpu.memory_space<vmem>>
    %dma_wait3A_440 = arith.constant 0 : i32
    %dma_wait3A_441 = arith.constant 0 : i32
    %dma_wait3A_442 = tpu.memref_slice %arg2[%dma_wait3A_440, %dma_wait3A_441] : memref<16384x1024xf32, #tpu.memory_space<hbm>> -> memref<16384x1024xf32, #tpu.memory_space<hbm>>
    tpu.wait_indirect_dma semaphore(%arg10 : memref<!tpu.dma_semaphore, #tpu.memory_space<semaphore_mem>>) src(%dma_wait3A_442 : memref<16384x1024xf32, #tpu.memory_space<hbm>>) dst(%arg7 : memref<32x1024xf32, #tpu.memory_space<vmem>>)
    %dma_start3A_443 = arith.constant 13 : i32
    %dma_start3A_444 = arith.constant 0 : i32
    %dma_start3A_445 = arith.constant 0 : i32
    %dma_start3A_446 = tpu.memref_slice %arg4[%add3A, %dma_start3A_443, %dma_start3A_444, %dma_start3A_445] : memref<32x16x32x1024xf32, #tpu.memory_space<hbm>> -> memref<1x1x32x1024xf32, #tpu.memory_space<hbm>>
    %dma_start3A_447 = tpu.memref_squeeze %dma_start3A_446 : memref<1x1x32x1024xf32, #tpu.memory_space<hbm>> -> memref<32x1024xf32, #tpu.memory_space<hbm>>
    %dma_start3A_448 = arith.constant 0 : i32
    %dma_start3A_449 = arith.constant 0 : i32
    %dma_start3A_450 = tpu.memref_slice %arg4[%add3A, %dma_start3A_443, %dma_start3A_448, %dma_start3A_449] : memref<32x16x32x1024xf32, #tpu.memory_space<hbm>> -> memref<1x1x32x1024xf32, #tpu.memory_space<hbm>>
    %dma_start3A_451 = tpu.memref_squeeze %dma_start3A_450 : memref<1x1x32x1024xf32, #tpu.memory_space<hbm>> -> memref<32x1024xf32, #tpu.memory_space<hbm>>
    tpu.enqueue_dma source(%arg7 : memref<32x1024xf32, #tpu.memory_space<vmem>>) target(%dma_start3A_451 : memref<32x1024xf32, #tpu.memory_space<hbm>>) target_semaphore(%arg13 : memref<!tpu.dma_semaphore, #tpu.memory_space<semaphore_mem>>)
    %dma_wait3A_452 = arith.constant 14 : i32
    %dma_wait3A_453 = arith.constant 0 : i32
    %dma_wait3A_454 = tpu.memref_slice %arg5[%dma_wait3A_452, %dma_wait3A_453] : memref<16x32xi32, #tpu.memory_space<vmem>> -> memref<1x32xi32, #tpu.memory_space<vmem>>
    %dma_wait3A_455 = tpu.memref_squeeze %dma_wait3A_454 : memref<1x32xi32, #tpu.memory_space<vmem>> -> memref<32xi32, #tpu.memory_space<vmem>>
    %dma_wait3A_456 = arith.constant 0 : i32
    %dma_wait3A_457 = arith.constant 0 : i32
    %dma_wait3A_458 = tpu.memref_slice %arg2[%dma_wait3A_456, %dma_wait3A_457] : memref<16384x1024xf32, #tpu.memory_space<hbm>> -> memref<16384x1024xf32, #tpu.memory_space<hbm>>
    tpu.wait_indirect_dma semaphore(%arg11 : memref<!tpu.dma_semaphore, #tpu.memory_space<semaphore_mem>>) src(%dma_wait3A_458 : memref<16384x1024xf32, #tpu.memory_space<hbm>>) dst(%arg8 : memref<32x1024xf32, #tpu.memory_space<vmem>>)
    %dma_start3A_459 = arith.constant 14 : i32
    %dma_start3A_460 = arith.constant 0 : i32
    %dma_start3A_461 = arith.constant 0 : i32
    %dma_start3A_462 = tpu.memref_slice %arg4[%add3A, %dma_start3A_459, %dma_start3A_460, %dma_start3A_461] : memref<32x16x32x1024xf32, #tpu.memory_space<hbm>> -> memref<1x1x32x1024xf32, #tpu.memory_space<hbm>>
    %dma_start3A_463 = tpu.memref_squeeze %dma_start3A_462 : memref<1x1x32x1024xf32, #tpu.memory_space<hbm>> -> memref<32x1024xf32, #tpu.memory_space<hbm>>
    %dma_start3A_464 = arith.constant 0 : i32
    %dma_start3A_465 = arith.constant 0 : i32
    %dma_start3A_466 = tpu.memref_slice %arg4[%add3A, %dma_start3A_459, %dma_start3A_464, %dma_start3A_465] : memref<32x16x32x1024xf32, #tpu.memory_space<hbm>> -> memref<1x1x32x1024xf32, #tpu.memory_space<hbm>>
    %dma_start3A_467 = tpu.memref_squeeze %dma_start3A_466 : memref<1x1x32x1024xf32, #tpu.memory_space<hbm>> -> memref<32x1024xf32, #tpu.memory_space<hbm>>
    tpu.enqueue_dma source(%arg8 : memref<32x1024xf32, #tpu.memory_space<vmem>>) target(%dma_start3A_467 : memref<32x1024xf32, #tpu.memory_space<hbm>>) target_semaphore(%arg14 : memref<!tpu.dma_semaphore, #tpu.memory_space<semaphore_mem>>)
    %dma_wait3A_468 = arith.constant 15 : i32
    %dma_wait3A_469 = arith.constant 0 : i32
    %dma_wait3A_470 = tpu.memref_slice %arg5[%dma_wait3A_468, %dma_wait3A_469] : memref<16x32xi32, #tpu.memory_space<vmem>> -> memref<1x32xi32, #tpu.memory_space<vmem>>
    %dma_wait3A_471 = tpu.memref_squeeze %dma_wait3A_470 : memref<1x32xi32, #tpu.memory_space<vmem>> -> memref<32xi32, #tpu.memory_space<vmem>>
    %dma_wait3A_472 = arith.constant 0 : i32
    %dma_wait3A_473 = arith.constant 0 : i32
    %dma_wait3A_474 = tpu.memref_slice %arg2[%dma_wait3A_472, %dma_wait3A_473] : memref<16384x1024xf32, #tpu.memory_space<hbm>> -> memref<16384x1024xf32, #tpu.memory_space<hbm>>
    tpu.wait_indirect_dma semaphore(%arg9 : memref<!tpu.dma_semaphore, #tpu.memory_space<semaphore_mem>>) src(%dma_wait3A_474 : memref<16384x1024xf32, #tpu.memory_space<hbm>>) dst(%arg6 : memref<32x1024xf32, #tpu.memory_space<vmem>>)
    %dma_start3A_475 = arith.constant 15 : i32
    %dma_start3A_476 = arith.constant 0 : i32
    %dma_start3A_477 = arith.constant 0 : i32
    %dma_start3A_478 = tpu.memref_slice %arg4[%add3A, %dma_start3A_475, %dma_start3A_476, %dma_start3A_477] : memref<32x16x32x1024xf32, #tpu.memory_space<hbm>> -> memref<1x1x32x1024xf32, #tpu.memory_space<hbm>>
    %dma_start3A_479 = tpu.memref_squeeze %dma_start3A_478 : memref<1x1x32x1024xf32, #tpu.memory_space<hbm>> -> memref<32x1024xf32, #tpu.memory_space<hbm>>
    %dma_start3A_480 = arith.constant 0 : i32
    %dma_start3A_481 = arith.constant 0 : i32
    %dma_start3A_482 = tpu.memref_slice %arg4[%add3A, %dma_start3A_475, %dma_start3A_480, %dma_start3A_481] : memref<32x16x32x1024xf32, #tpu.memory_space<hbm>> -> memref<1x1x32x1024xf32, #tpu.memory_space<hbm>>
    %dma_start3A_483 = tpu.memref_squeeze %dma_start3A_482 : memref<1x1x32x1024xf32, #tpu.memory_space<hbm>> -> memref<32x1024xf32, #tpu.memory_space<hbm>>
    tpu.enqueue_dma source(%arg6 : memref<32x1024xf32, #tpu.memory_space<vmem>>) target(%dma_start3A_483 : memref<32x1024xf32, #tpu.memory_space<hbm>>) target_semaphore(%arg12 : memref<!tpu.dma_semaphore, #tpu.memory_space<semaphore_mem>>)
    %dma_wait3A_484 = arith.constant 13 : i32
    %dma_wait3A_485 = arith.constant 0 : i32
    %dma_wait3A_486 = arith.constant 0 : i32
    %dma_wait3A_487 = tpu.memref_slice %arg4[%add3A, %dma_wait3A_484, %dma_wait3A_485, %dma_wait3A_486] : memref<32x16x32x1024xf32, #tpu.memory_space<hbm>> -> memref<1x1x32x1024xf32, #tpu.memory_space<hbm>>
    %dma_wait3A_488 = tpu.memref_squeeze %dma_wait3A_487 : memref<1x1x32x1024xf32, #tpu.memory_space<hbm>> -> memref<32x1024xf32, #tpu.memory_space<hbm>>
    %dma_wait3A_489 = arith.constant 0 : i32
    %dma_wait3A_490 = arith.constant 0 : i32
    %dma_wait3A_491 = tpu.memref_slice %arg4[%add3A, %dma_wait3A_484, %dma_wait3A_489, %dma_wait3A_490] : memref<32x16x32x1024xf32, #tpu.memory_space<hbm>> -> memref<1x1x32x1024xf32, #tpu.memory_space<hbm>>
    %dma_wait3A_492 = tpu.memref_squeeze %dma_wait3A_491 : memref<1x1x32x1024xf32, #tpu.memory_space<hbm>> -> memref<32x1024xf32, #tpu.memory_space<hbm>>
    tpu.wait_dma2 semaphore(%arg13 : memref<!tpu.dma_semaphore, #tpu.memory_space<semaphore_mem>>) src(%arg7 : memref<32x1024xf32, #tpu.memory_space<vmem>>) dst(%dma_wait3A_492 : memref<32x1024xf32, #tpu.memory_space<hbm>>)
    %dma_wait3A_493 = arith.constant 14 : i32
    %dma_wait3A_494 = arith.constant 0 : i32
    %dma_wait3A_495 = arith.constant 0 : i32
    %dma_wait3A_496 = tpu.memref_slice %arg4[%add3A, %dma_wait3A_493, %dma_wait3A_494, %dma_wait3A_495] : memref<32x16x32x1024xf32, #tpu.memory_space<hbm>> -> memref<1x1x32x1024xf32, #tpu.memory_space<hbm>>
    %dma_wait3A_497 = tpu.memref_squeeze %dma_wait3A_496 : memref<1x1x32x1024xf32, #tpu.memory_space<hbm>> -> memref<32x1024xf32, #tpu.memory_space<hbm>>
    %dma_wait3A_498 = arith.constant 0 : i32
    %dma_wait3A_499 = arith.constant 0 : i32
    %dma_wait3A_500 = tpu.memref_slice %arg4[%add3A, %dma_wait3A_493, %dma_wait3A_498, %dma_wait3A_499] : memref<32x16x32x1024xf32, #tpu.memory_space<hbm>> -> memref<1x1x32x1024xf32, #tpu.memory_space<hbm>>
    %dma_wait3A_501 = tpu.memref_squeeze %dma_wait3A_500 : memref<1x1x32x1024xf32, #tpu.memory_space<hbm>> -> memref<32x1024xf32, #tpu.memory_space<hbm>>
    tpu.wait_dma2 semaphore(%arg14 : memref<!tpu.dma_semaphore, #tpu.memory_space<semaphore_mem>>) src(%arg8 : memref<32x1024xf32, #tpu.memory_space<vmem>>) dst(%dma_wait3A_501 : memref<32x1024xf32, #tpu.memory_space<hbm>>)
    %dma_wait3A_502 = arith.constant 15 : i32
    %dma_wait3A_503 = arith.constant 0 : i32
    %dma_wait3A_504 = arith.constant 0 : i32
    %dma_wait3A_505 = tpu.memref_slice %arg4[%add3A, %dma_wait3A_502, %dma_wait3A_503, %dma_wait3A_504] : memref<32x16x32x1024xf32, #tpu.memory_space<hbm>> -> memref<1x1x32x1024xf32, #tpu.memory_space<hbm>>
    %dma_wait3A_506 = tpu.memref_squeeze %dma_wait3A_505 : memref<1x1x32x1024xf32, #tpu.memory_space<hbm>> -> memref<32x1024xf32, #tpu.memory_space<hbm>>
    %dma_wait3A_507 = arith.constant 0 : i32
    %dma_wait3A_508 = arith.constant 0 : i32
    %dma_wait3A_509 = tpu.memref_slice %arg4[%add3A, %dma_wait3A_502, %dma_wait3A_507, %dma_wait3A_508] : memref<32x16x32x1024xf32, #tpu.memory_space<hbm>> -> memref<1x1x32x1024xf32, #tpu.memory_space<hbm>>
    %dma_wait3A_510 = tpu.memref_squeeze %dma_wait3A_509 : memref<1x1x32x1024xf32, #tpu.memory_space<hbm>> -> memref<32x1024xf32, #tpu.memory_space<hbm>>
    tpu.wait_dma2 semaphore(%arg12 : memref<!tpu.dma_semaphore, #tpu.memory_space<semaphore_mem>>) src(%arg6 : memref<32x1024xf32, #tpu.memory_space<vmem>>) dst(%dma_wait3A_510 : memref<32x1024xf32, #tpu.memory_space<hbm>>)
    return
  }
}

</mosaic_0001>

<sc_bundles>
// kernel: kernel.3.cloned.1.call-start
scs
__scs_entry_jumppad:
0x0: {  	(pc) =	sbr.rel $0x88, $3  }
0x1: {  	(tag) =	ssettag $0x0;
	lr =	simm.s32 $0x1  }
0x2: {  	[smem:$0x3F9F] =	sst lr;
	_ =	strace $0xD0000000  }
0x3: {  	_ = 	snop  }
0x4: {  	_ = 	snop  }
0x5: {  	_ = 	snop  }
0x6: {  	_ = 	snop  }
0x7: {  	_ = 	snop  }
__scs_overlays_trampoline_lowered:
0x8: {  	[smem:$0x3FAE] =	sst s0  }
0x9: {  	[smem:$0x3FAF] =	sst s1  }
0xa: {  	[smem:$0x3FB0] =	sst s2  }
0xb: {  	[smem:$0x3FB1] =	sst s3  }
0xc: {  	[smem:$0x3FB2] =	sst s4  }
0xd: {  	[smem:$0x3FB3] =	sst s5  }
0xe: {  	[smem:$0x3FB4] =	sst s6  }
0xf: {  	[smem:$0x3FB5] =	sst s7  }
0x10: {  	[smem:$0x3FB6] =	sst s8  }
0x11: {  	[smem:$0x3FB7] =	sst s9;
	s0 =	simm.s32 @!p0 $0x0  }
0x12: {  	s1 =	sld [smem:$0x3F9D];
	s0 =	simm.s32 @p0 $0x1  }
0x13: {  	[smem:$0x3FB8] =	sst s0;
	s0 =	simm.s32 @!p1 $0x0  }
0x14: {  	s2 =	sld [smem:$0x3F9C];
	s0 =	simm.s32 @p1 $0x1  }
0x15: {  	[smem:$0x3FB9] =	sst s0;
	s0 =	simm.s32 @!p2 $0x0  }
0x16: {  	s3 =	sld [smem:$0x3FDB];
	s0 =	simm.s32 @p2 $0x1  }
0x17: {  	s4 =	simm.s32 $0x1BF5;
	[smem:$0x3FBB] =	sst s0  }
0x18: {  	s0 =	sld [smem:$0x3F9E];
	_ =	swait.ge [sflag:s4], $0x0  }
0x19: {  	s7 =	sld [smem:$0x3F9F]  }
0x1a: {  	s8 =	sadd.s32 $0xFFFFE003, lr  }
0x1b: {  	s9 =	sadd.s32 $0xFFFFFEF7, lr;
	s5 =	simm.s32 $0xFFFFFFFF;
	p2 =	slt.u32 s8, $0xFFFFF086  }
0x1c: {  	p1 =	slt.u32 s9, $0xF7A;
	s5 =	simm.s32 @!p2 $0x0  }
0x1d: {  	s5 =	simm.s32 @p1 $0x1;
	p0 =	seq.s32 s7, s2  }
0x1e: {  	s7 =	smul.u32 @!p0 $0xF7A, s2;
	p2 =	seq.s32 @!p0 s5, $0x0  }
0x1f: {  	s9 =	smul.u32 $0xF7A, s1;
	s8 =	simm.s32 @!p0 $0x1BF5;
	p2 =	por !p2, p0  }
0x20: {  	[sflag:s8] =	ssyncset.s32 @!p0 $0xFFFFF086;
	s6 =	sadd.s32 @!p0 s3, s7;
	s7 =	simm.s32 @!p0 $0x108  }
0x21: {  	s3 =	sadd.s32 s3, s9;
	s6 =	sadd.s32 @!p0 $0x88, s6;
	s7 =	simm.s32 @p2 $0x1082  }
0x22: {  	[simem:s7], [sflag:s8] =	dma.local @!p0 [hbm:s6], $0xF7A  }
0x23: {  	s9 =	sor.u32 $0xD0000000, s2;
	s6 =	simm.s32 $0x108;
	_ =	swait.ge @!p0 [sflag:s8], $0x0  }
0x24: {  	s3 =	sadd.s32 $0x88, s3;
	s6 =	simm.s32 @!p1 $0x1082;
	[sflag:s4] =	ssyncset.s32 $0xFFFFF086  }
0x25: {  	[simem:s6], [sflag:s4] =	dma.local [hbm:s3], $0xF7A  }
0x26: {  	[smem:$0x3F9F] =	sst s1;
	(tag) =	ssettag s2;
	_ =	strace s9  }
0x27: {  	s1 =	sld [smem:$0x3FAF]  }
0x28: {  	s2 =	sld [smem:$0x3FB0]  }
0x29: {  	s4 =	sld [smem:$0x3FB2]  }
0x2a: {  	p0 =	seq.s32 s5, $0x0;
	s5 =	sld [smem:$0x3FB3]  }
0x2b: {  	s6 =	sld [smem:$0x3FB4]  }
0x2c: {  	s7 =	sld [smem:$0x3FB5]  }
0x2d: {  	s3 =	simm.s32 $0x108;
	s8 =	sld [smem:$0x3FB6]  }
0x2e: {  	s3 =	simm.s32 @!p0 $0x1082;
	s9 =	sld [smem:$0x3FB7]  }
0x2f: {  	lr =	sadd.s32 s0, s3;
	s0 =	sld [smem:$0x3FAE]  }
0x30: {  	s3 =	sld [smem:$0x3FB1]  }
0x31: {  	[smem:$0x3FBA] =	sst s10  }
0x32: {  	s10 =	sld [smem:$0x3FB8];
	_ =	sdelay $0x3  }
0x33: {  	p0 =	seq.s32 s10, $0x1;
	s10 =	sld [smem:$0x3FBA];
	_ =	sdelay $0x3  }
0x34: {  	[smem:$0x3FBA] =	sst s10  }
0x35: {  	s10 =	sld [smem:$0x3FB9];
	_ =	sdelay $0x3  }
0x36: {  	p1 =	seq.s32 s10, $0x1;
	s10 =	sld [smem:$0x3FBA];
	_ =	sdelay $0x3  }
0x37: {  	[smem:$0x3FBA] =	sst s10  }
0x38: {  	s10 =	sld [smem:$0x3FBB]  }
0x39: {  	_ = 	snop;
	(pc) =	sbr.ind lr, $3  }
0x3a: {  	_ = 	snop  }
0x3b: {  	_ = 	snop  }
0x3c: {  	p2 =	seq.s32 s10, $0x1;
	s10 =	sld [smem:$0x3FBA]  }
0x3d: {  	_ =	shalt  }
0x3e: {  	_ =	shalt  }
0x3f: {  	_ =	shalt  }
0x40: {  	_ =	shalt  }
0x41: {  	_ =	shalt  }
0x42: {  	_ =	shalt  }
0x43: {  	_ =	shalt  }
0x44: {  	_ =	shalt  }
0x45: {  	_ =	shalt  }
0x46: {  	_ =	shalt  }
0x47: {  	_ =	shalt  }
0x48: {  	_ =	shalt  }
0x49: {  	_ =	shalt  }
0x4a: {  	_ =	shalt  }
0x4b: {  	_ =	shalt  }
0x4c: {  	_ =	shalt  }
0x4d: {  	_ =	shalt  }
0x4e: {  	_ =	shalt  }
0x4f: {  	_ =	shalt  }
0x50: {  	_ =	shalt  }
0x51: {  	_ =	shalt  }
0x52: {  	_ =	shalt  }
0x53: {  	_ =	shalt  }
0x54: {  	_ =	shalt  }
0x55: {  	_ =	shalt  }
0x56: {  	_ =	shalt  }
0x57: {  	_ =	shalt  }
0x58: {  	_ =	shalt  }
0x59: {  	_ =	shalt  }
0x5a: {  	_ =	shalt  }
0x5b: {  	_ =	shalt  }
0x5c: {  	_ =	shalt  }
0x5d: {  	_ =	shalt  }
0x5e: {  	_ =	shalt  }
0x5f: {  	_ =	shalt  }
0x60: {  	_ =	shalt  }
0x61: {  	_ =	shalt  }
0x62: {  	_ =	shalt  }
0x63: {  	_ =	shalt  }
0x64: {  	_ =	shalt  }
0x65: {  	_ =	shalt  }
0x66: {  	_ =	shalt  }
0x67: {  	_ =	shalt  }
0x68: {  	_ =	shalt  }
0x69: {  	_ =	shalt  }
0x6a: {  	_ =	shalt  }
0x6b: {  	_ =	shalt  }
0x6c: {  	_ =	shalt  }
0x6d: {  	_ =	shalt  }
0x6e: {  	_ =	shalt  }
0x6f: {  	_ =	shalt  }
0x70: {  	_ =	shalt  }
0x71: {  	_ =	shalt  }
0x72: {  	_ =	shalt  }
0x73: {  	_ =	shalt  }
0x74: {  	_ =	shalt  }
0x75: {  	_ =	shalt  }
0x76: {  	_ =	shalt  }
0x77: {  	_ =	shalt  }
0x78: {  	_ =	shalt  }
0x79: {  	_ =	shalt  }
0x7a: {  	_ =	shalt  }
0x7b: {  	_ =	shalt  }
0x7c: {  	_ =	shalt  }
0x7d: {  	_ =	shalt  }
0x7e: {  	_ =	shalt  }
0x7f: {  	_ =	shalt  }
0x80: {  	_ =	shalt  }
0x81: {  	_ =	shalt  }
0x82: {  	_ =	shalt  }
0x83: {  	_ =	shalt  }
0x84: {  	_ =	shalt  }
0x85: {  	_ =	shalt  }
0x86: {  	_ =	shalt  }
0x87: {  	_ =	shalt  }
.Lfunc_end0:
.L_simem_size_0:
called_computation_lowered:
.L_overlay_start_0:
0x88: {  	s2 =	sld [smem:$0x3FD9]  }
0x89: {  	s3 =	sld [smem:$0x3FFE];
	_ =	sdelay $0x1  }
0x8a: {  	s1 =	srdreg.scid  }
0x8b: {  	s0 =	sand.u32 $0x1, s1  }
0x8c: {  	s17 =	sshll.u32 s0, $0xA;
	s2 =	sadd.s32 s3, s2  }
0x8d: {  	s2 =	sadd.s32 s2, s17  }
0x8e: {  	[smem:$0x3FC6] =	sst s2  }
0x8f: {  	_ = 	snop  }
0x90: {  	s2 =	sld [smem:$0x3FC9]  }
0x91: {  	s18 =	sld [smem:$0x3FD0];
	(tm) =	ssettm $0x1  }
0x92: {  	s4 =	sld [smem:$0x3FFB];
	_ =	sdelay $0x3  }
0x93: {  	_ =	strace s4  }
0x94: {  	s4 =	sld [smem:$0x3FFC];
	_ =	sdelay $0x3  }
0x95: {  	_ =	strace s4  }
0x96: {  	s4 =	sld [smem:$0x3FFD];
	_ =	sdelay $0x3  }
0x97: {  	_ =	strace s4  }
0x98: {  	_ =	strace $0x8FFFFFFF  }
0x99: {  	s19 =	sld [smem:$0x3FDB];
	_ =	sdelay $0x1  }
0x9a: {  	s5 =	simm.s32 $_scs_section_size  }
0x9b: {  	s6 =	simm.s32 $_size__tile_overlayer_lowered;
	s7 =	simm.s32 $_tile_overlayer_lowered  }
0x9c: {  	s22 =	simm.s32 $0x1BFF;
	s21 =	sshll.u32 s7, $0x1;
	s4 =	sadd.s32 s5, s19  }
0x9d: {  	s8 =	simm.s32 $0x0;
	s20 =	sshll.u32 s6, $0x1;
	s6 =	sadd.s32 s21, s4  }
0x9e: {  	[timem:s8], [sflag:s22] =	dma.local [hbm:s6], s20  }
0x9f: {  	_ =	swait.ge [sflag:s22], s20  }
0xa0: {  	s5 =	ssub.s32 $0x0, s20;
	[sflag:s22] =	ssyncset.done $0x0  }
0xa1: {  	[sflag:s22] =	ssyncadd.s32 s5;
	_ =	sdelay $0x1  }
0xa2: {  	s23 =	simm.s32 $0x1B8B  }
0xa3: {  	_ =	swait.ge [sflag:s23], $0x1  }
0xa4: {  	[sflag:s23] =	ssyncset.done $0x0  }
0xa5: {  	s25 =	simm.s32 $0x1B8E;
	s24 =	sld [smem:$0x3FFE];
	[sflag:s23] =	ssyncadd.s32 $0xFFFFFFFF  }
0xa6: {  	s26 =	simm.s32 $execute0_lowered;
	[smem:$0x3FD2] =	sst s25  }
0xa7: {  	s6 =	sshll.u32 s26, $0x1;
	_ =	strace $0x80000046;
	[dreg:$0x1] =	wrdreg $0xFFFFFFFF  }
0xa8: {  	s28 =	simm.s32 $_size_execute0_lowered;
	s4 =	sadd.s32 s4, s6;
	[dreg:$0x0] =	wrdreg $0x0  }
0xa9: {  	s6 =	sshll.u32 s28, $0x1;
	[dreg:$0x2] =	wrdreg s4  }
0xaa: {  	[dreg:$0x3] =	wrdreg s6  }
0xab: {  	[dreg:$0x4] =	wrdreg $0xC0  }
0xac: {  	_ =	task [dreg:s8], $0x5FFFF  }
0xad: {  	[dreg:$0x1] =	wrdreg $0xFFFFFFFF  }
0xae: {  	[dreg:$0x0] =	wrdreg $0x60  }
0xaf: {  	[dreg:$0x2] =	wrdreg s2  }
0xb0: {  	[dreg:$0x3] =	wrdreg s24  }
0xb1: {  	[dreg:$0x4] =	wrdreg s18  }
0xb2: {  	[dreg:$0x5] =	wrdreg $0x9  }
0xb3: {  	_ =	task.clear_ibuf [dreg:s8], $0x6FFFF;
	_ =	strace $0x90000046  }
0xb4: {  	s29 =	simm.s32 $0x9;
	_ =	strace $0x80000048  }
0xb5: {  	_ =	swait.ge [sflag:s29], $0x1  }
0xb6: {  	[sflag:s29] =	ssyncadd.s32 $0xFFFFFFFF  }
0xb7: {  	_ =	strace $0x90000048  }
0xb8: {  	_ =	sfence  }
0xb9: {  	s30 =	sld [smem:$0x0];
	_ =	sdelay $0x2  }
0xba: {  	s31 =	sshll.u32 s1, $0xD;
	s1 =	sshrl.u32 s1, $0x2  }
0xbb: {  	s3 =	sand.u32 $0x4000, s31;
	s1 =	sadd.s32 s1, s30  }
0xbc: {  	s0 =	sor.u32 s3, s0;
	s1 =	sshll.u32 s1, $0x11  }
0xbd: {  	s0 =	sor.u32 s1, s0  }
0xbe: {  	s0 =	sadd.s32 $0x8F2B, s0  }
0xbf: {  	[sflag:s0] =	ssyncadd.remote.s32 $0x1  }
0xc0: {  	_ =	sfence.sel $0xFFFF  }
0xc1: {  	[dreg:$0x0] =	wrdreg $0xFFFFFFFF;
	(pc) =	sbr.abs _section_cstart, $3  }
0xc2: {  	[dreg:$0x1] =	wrdreg $0xFFFFFFFF  }
0xc3: {  	_ =	task.clear_ibuf [dreg:s8], $0x2FFFF;
	_ =	strace $0x9FFFFFFF  }
0xc4: {  	(tm) =	ssettm $0x7FFFFFFF  }
0xc5: {  	_ =	shalt  }
tec
execute0_lowered:
.L_overlay_start_1:
0x0: {  	(tag) =	ssettag $0x1  }
0x1: {  	s2 =	srdreg.scid;
	s3 =	stileid.u32  }
0x2: {  	s1 =	rddreg [dreg:$0x0];
	s2 =	sand.u32 $0x1, s2;
	s5 =	sshll.u32 s3, $0x1  }
0x3: {  	s0 =	rddreg [dreg:$0x1];
	s5 =	sor.u32 s2, s5  }
0x4: {  	s4 =	rddreg [dreg:$0x2];
	s3 =	simm.s32 $0x0;
	s6 =	sshll.u32 s5, $0x8  }
0x5: {  	[smem:$0x7FF] =	sst s3;
	s5 =	sshll.u32 s5, $0x10;
	s0 =	sadd.s32 s0, s6  }
0x6: {  	_ =	strace $0x80000047;
	s8 =	sadd.s32 s4, s5;
	[dreg:$0x4] =	wrdreg s0  }
0x7: {  	s13 =	sadd.s32 $0x1000, s8;
	[dreg:$0x14] =	wrdreg s8  }
0x8: {  	s14 =	sadd.s32 $0x2000, s8;
	[dreg:$0x5] =	wrdreg s13  }
0x9: {  	s15 =	sadd.s32 $0x3000, s8;
	[dreg:$0x6] =	wrdreg s14  }
0xa: {  	s16 =	sadd.s32 $0x4000, s8;
	[dreg:$0x7] =	wrdreg s15  }
0xb: {  	s29 =	simm.s32 $0x1;
	s17 =	sadd.s32 $0x5000, s8;
	[dreg:$0x8] =	wrdreg s16  }
0xc: {  	s30 =	simm.s32 $0x4;
	s18 =	sadd.s32 $0x6000, s8;
	[dreg:$0x9] =	wrdreg s17  }
0xd: {  	s10 =	simm.s32 $0x2;
	s19 =	sadd.s32 $0x7000, s8;
	[dreg:$0xa] =	wrdreg s18  }
0xe: {  	s7 =	sadd.s32 $0x300, s1;
	s20 =	sadd.s32 $0x8000, s8;
	[dreg:$0xb] =	wrdreg s19  }
0xf: {  	s2 =	ssub.s32 $0x2, s2;
	s21 =	sadd.s32 $0x9000, s8;
	[dreg:$0xc] =	wrdreg s20  }
0x10: {  	s23 =	sshrl.u32 s2, $0x1;
	s22 =	sadd.s32 $0xA000, s8;
	[dreg:$0xd] =	wrdreg s21  }
0x11: {  	s2 =	ssub.s32 s2, s23;
	s24 =	sadd.s32 $0xB000, s8;
	[dreg:$0xe] =	wrdreg s22  }
0x12: {  	s5 =	sadd.s32 $0x100, s1;
	s25 =	sadd.s32 $0xC000, s8;
	[dreg:$0xf] =	wrdreg s24  }
0x13: {  	s6 =	sadd.s32 $0x200, s1;
	s26 =	sadd.s32 $0xD000, s8;
	[dreg:$0x10] =	wrdreg s25  }
0x14: {  	v2 =	vlaneseq.u32;
	s4 =	simm.s32 $0x6;
	s28 =	sadd.s32 $0xE000, s8;
	[dreg:$0x11] =	wrdreg s26  }
0x15: {  	vm0 =	vmmov $0xffff;
	v1 =	vshrl.u32 v2, $0x3;
	s31 =	sadd.s32 $0xF000, s8;
	s8 =	smax.u32 s2, $0x1;
	[dreg:$0x12] =	wrdreg s28  }
0x16: {  	v0 =	vand.u32 $0x7, v2;
	v2 =	vor.u32 $0x8, v2;
	v1 =	vmul.u32 $0x8, v1;
	s2 =	simm.s32 $0x5;
	s0 =	simm.s32 $0x3;
	[dreg:$0x13] =	wrdreg s31  }
.LBB2_1:
0x17: {  	[dreg:$0x15] =	wrdreg s8  }
0x18: {  	s28 =	rddreg [dreg:$0x4];
	s17 =	simm.s32 $0x7  }
0x19: {  	[tilespmem:s3], [sflag:$0x7] =	stream.linear.gather [hbm4b:s28+s3], $0x800, $0x38;
	[tilespmem:$0x18800] =	vst v63  }
0x1a: {  	_ =	swait.ge [sflag:s17], $0x800  }
0x1b: {  	[sflag:s17] =	ssyncset.done $0x0  }
0x1c: {  	[sflag:s17] =	ssyncadd.s32 $0xFFFFF800  }
0x1d: {  	v3 =	vld [tilespmem:$0x0];
	_ =	sdelay $0x4  }
0x1e: {  	v4 =	vshll.u32 v3, $0x3  }
0x1f: {  	v3 =	vand.u32 $0x7, v3;
	v4 =	vand.u32 $0xFFFFFFC0, v4  }
0x20: {  	v3 =	vor.u32 v3, v4  }
0x21: {  	v4 =	vperm.xlane v3, v0;
	_ =	sdelay $0x1  }
0x22: {  	v4 =	vadd.s32 v1, v4;
	_ =	sdelay $0x3  }
0x23: {  	s18 =	simm.s32 $0x800  }
0x24: {  	[tilespmem:s18], [sflag:$0x1] =	stream.indirect_vreg.gather [hbm4b:s1+s3], $0x80, v4, vm0, $0xb8;
	[tilespmem:$0x18800] =	vst v63  }
0x25: {  	s11 =	simm.s32 $0x1000;
	v3 =	vperm.xlane v3, v2  }
0x26: {  	[tilespmem:s11], [sflag:$0x1] =	stream.indirect_vreg.gather [hbm4b:s5+s3], $0x80, v4, vm0, $0xb8;
	[tilespmem:$0x18800] =	vst v63  }
0x27: {  	s19 =	simm.s32 $0x1800;
	v3 =	vadd.s32 v1, v3  }
0x28: {  	[tilespmem:s19], [sflag:$0x1] =	stream.indirect_vreg.gather [hbm4b:s6+s3], $0x80, v4, vm0, $0xb8;
	[tilespmem:$0x18800] =	vst v63  }
0x29: {  	s20 =	simm.s32 $0x2000  }
0x2a: {  	[tilespmem:s20], [sflag:$0x1] =	stream.indirect_vreg.gather [hbm4b:s7+s3], $0x80, v4, vm0, $0xb8;
	[tilespmem:$0x18800] =	vst v63  }
0x2b: {  	s21 =	simm.s32 $0x2800  }
0x2c: {  	[tilespmem:s21], [sflag:$0x1] =	stream.indirect_vreg.gather [hbm4b:s1+s3], $0x80, v3, vm0, $0xb8;
	[tilespmem:$0x18800] =	vst v63  }
0x2d: {  	s22 =	simm.s32 $0x3000  }
0x2e: {  	[tilespmem:s22], [sflag:$0x1] =	stream.indirect_vreg.gather [hbm4b:s5+s3], $0x80, v3, vm0, $0xb8;
	[tilespmem:$0x18800] =	vst v63  }
0x2f: {  	s23 =	simm.s32 $0x3800  }
0x30: {  	[tilespmem:s23], [sflag:$0x1] =	stream.indirect_vreg.gather [hbm4b:s6+s3], $0x80, v3, vm0, $0xb8;
	[tilespmem:$0x18800] =	vst v63  }
0x31: {  	s24 =	simm.s32 $0x4000  }
0x32: {  	[tilespmem:s24], [sflag:$0x1] =	stream.indirect_vreg.gather [hbm4b:s7+s3], $0x80, v3, vm0, $0xb8;
	[tilespmem:$0x18800] =	vst v63  }
0x33: {  	v3 =	vld [tilespmem:$0x10];
	_ =	sdelay $0x4  }
0x34: {  	v33 =	vshll.u32 v3, $0x3  }
0x35: {  	v3 =	vand.u32 $0x7, v3;
	v4 =	vand.u32 $0xFFFFFFC0, v33  }
0x36: {  	v3 =	vor.u32 v3, v4  }
0x37: {  	v4 =	vperm.xlane v3, v0;
	_ =	sdelay $0x1  }
0x38: {  	v4 =	vadd.s32 v1, v4;
	_ =	sdelay $0x3  }
0x39: {  	s25 =	simm.s32 $0x4800  }
0x3a: {  	[tilespmem:s25], [sflag:$0x1] =	stream.indirect_vreg.gather [hbm4b:s1+s3], $0x80, v4, vm0, $0xb8;
	[tilespmem:$0x18800] =	vst v63  }
0x3b: {  	s26 =	simm.s32 $0x5000;
	v3 =	vperm.xlane v3, v2  }
0x3c: {  	[tilespmem:s26], [sflag:$0x1] =	stream.indirect_vreg.gather [hbm4b:s5+s3], $0x80, v4, vm0, $0xb8;
	[tilespmem:$0x18800] =	vst v63  }
0x3d: {  	s28 =	simm.s32 $0x5800;
	v3 =	vadd.s32 v1, v3  }
0x3e: {  	[tilespmem:s28], [sflag:$0x1] =	stream.indirect_vreg.gather [hbm4b:s6+s3], $0x80, v4, vm0, $0xb8;
	[tilespmem:$0x18800] =	vst v63  }
0x3f: {  	s31 =	simm.s32 $0x6000  }
0x40: {  	[tilespmem:s31], [sflag:$0x1] =	stream.indirect_vreg.gather [hbm4b:s7+s3], $0x80, v4, vm0, $0xb8;
	[tilespmem:$0x18800] =	vst v63  }
0x41: {  	s8 =	simm.s32 $0x6800  }
0x42: {  	[tilespmem:s8], [sflag:$0x1] =	stream.indirect_vreg.gather [hbm4b:s1+s3], $0x80, v3, vm0, $0xb8;
	[tilespmem:$0x18800] =	vst v63  }
0x43: {  	s9 =	simm.s32 $0x7000  }
0x44: {  	[tilespmem:s9], [sflag:$0x1] =	stream.indirect_vreg.gather [hbm4b:s5+s3], $0x80, v3, vm0, $0xb8;
	[tilespmem:$0x18800] =	vst v63  }
0x45: {  	s13 =	simm.s32 $0x7800  }
0x46: {  	[tilespmem:s13], [sflag:$0x1] =	stream.indirect_vreg.gather [hbm4b:s6+s3], $0x80, v3, vm0, $0xb8;
	[tilespmem:$0x18800] =	vst v63  }
0x47: {  	s14 =	simm.s32 $0x8000  }
0x48: {  	[tilespmem:s14], [sflag:$0x1] =	stream.indirect_vreg.gather [hbm4b:s7+s3], $0x80, v3, vm0, $0xb8;
	[tilespmem:$0x18800] =	vst v63  }
0x49: {  	v3 =	vld [tilespmem:$0x80];
	_ =	sdelay $0x4  }
0x4a: {  	v34 =	vshll.u32 v3, $0x3  }
0x4b: {  	v3 =	vand.u32 $0x7, v3;
	v4 =	vand.u32 $0xFFFFFFC0, v34  }
0x4c: {  	v3 =	vor.u32 v3, v4  }
0x4d: {  	v4 =	vperm.xlane v3, v0;
	_ =	sdelay $0x1  }
0x4e: {  	v4 =	vadd.s32 v1, v4;
	_ =	sdelay $0x3  }
0x4f: {  	s9 =	simm.s32 $0x8800  }
0x50: {  	[tilespmem:s9], [sflag:$0x2] =	stream.indirect_vreg.gather [hbm4b:s1+s3], $0x80, v4, vm0, $0xb8;
	[tilespmem:$0x18800] =	vst v63  }
0x51: {  	s15 =	simm.s32 $0x9000;
	v3 =	vperm.xlane v3, v2  }
0x52: {  	[tilespmem:s15], [sflag:$0x2] =	stream.indirect_vreg.gather [hbm4b:s5+s3], $0x80, v4, vm0, $0xb8;
	[tilespmem:$0x18800] =	vst v63  }
0x53: {  	s19 =	simm.s32 $0x9800;
	v3 =	vadd.s32 v1, v3  }
0x54: {  	[tilespmem:s19], [sflag:$0x2] =	stream.indirect_vreg.gather [hbm4b:s6+s3], $0x80, v4, vm0, $0xb8;
	[tilespmem:$0x18800] =	vst v63  }
0x55: {  	s20 =	simm.s32 $0xA000  }
0x56: {  	[tilespmem:s20], [sflag:$0x2] =	stream.indirect_vreg.gather [hbm4b:s7+s3], $0x80, v4, vm0, $0xb8;
	[tilespmem:$0x18800] =	vst v63  }
0x57: {  	s23 =	simm.s32 $0xA800  }
0x58: {  	[tilespmem:s23], [sflag:$0x2] =	stream.indirect_vreg.gather [hbm4b:s1+s3], $0x80, v3, vm0, $0xb8;
	[tilespmem:$0x18800] =	vst v63  }
0x59: {  	s24 =	simm.s32 $0xB000  }
0x5a: {  	[tilespmem:s24], [sflag:$0x2] =	stream.indirect_vreg.gather [hbm4b:s5+s3], $0x80, v3, vm0, $0xb8;
	[tilespmem:$0x18800] =	vst v63  }
0x5b: {  	s25 =	simm.s32 $0xB800  }
0x5c: {  	[tilespmem:s25], [sflag:$0x2] =	stream.indirect_vreg.gather [hbm4b:s6+s3], $0x80, v3, vm0, $0xb8;
	[tilespmem:$0x18800] =	vst v63  }
0x5d: {  	s26 =	simm.s32 $0xC000  }
0x5e: {  	[tilespmem:s26], [sflag:$0x2] =	stream.indirect_vreg.gather [hbm4b:s7+s3], $0x80, v3, vm0, $0xb8;
	[tilespmem:$0x18800] =	vst v63  }
0x5f: {  	v3 =	vld [tilespmem:$0x90];
	_ =	sdelay $0x4  }
0x60: {  	v35 =	vshll.u32 v3, $0x3  }
0x61: {  	v3 =	vand.u32 $0x7, v3;
	v4 =	vand.u32 $0xFFFFFFC0, v35  }
0x62: {  	v3 =	vor.u32 v3, v4  }
0x63: {  	v4 =	vperm.xlane v3, v0;
	_ =	sdelay $0x1  }
0x64: {  	v4 =	vadd.s32 v1, v4;
	_ =	sdelay $0x3  }
0x65: {  	s28 =	simm.s32 $0xC800  }
0x66: {  	[tilespmem:s28], [sflag:$0x2] =	stream.indirect_vreg.gather [hbm4b:s1+s3], $0x80, v4, vm0, $0xb8;
	[tilespmem:$0x18800] =	vst v63  }
0x67: {  	s31 =	simm.s32 $0xD000;
	v3 =	vperm.xlane v3, v2  }
0x68: {  	[tilespmem:s31], [sflag:$0x2] =	stream.indirect_vreg.gather [hbm4b:s5+s3], $0x80, v4, vm0, $0xb8;
	[tilespmem:$0x18800] =	vst v63  }
0x69: {  	s9 =	simm.s32 $0xD800;
	v3 =	vadd.s32 v1, v3  }
0x6a: {  	[tilespmem:s9], [sflag:$0x2] =	stream.indirect_vreg.gather [hbm4b:s6+s3], $0x80, v4, vm0, $0xb8;
	[tilespmem:$0x18800] =	vst v63  }
0x6b: {  	s11 =	simm.s32 $0xE000  }
0x6c: {  	[tilespmem:s11], [sflag:$0x2] =	stream.indirect_vreg.gather [hbm4b:s7+s3], $0x80, v4, vm0, $0xb8;
	[tilespmem:$0x18800] =	vst v63  }
0x6d: {  	s13 =	simm.s32 $0xE800  }
0x6e: {  	[tilespmem:s13], [sflag:$0x2] =	stream.indirect_vreg.gather [hbm4b:s1+s3], $0x80, v3, vm0, $0xb8;
	[tilespmem:$0x18800] =	vst v63  }
0x6f: {  	s14 =	simm.s32 $0xF000  }
0x70: {  	[tilespmem:s14], [sflag:$0x2] =	stream.indirect_vreg.gather [hbm4b:s5+s3], $0x80, v3, vm0, $0xb8;
	[tilespmem:$0x18800] =	vst v63  }
0x71: {  	s15 =	simm.s32 $0xF800  }
0x72: {  	[tilespmem:s15], [sflag:$0x2] =	stream.indirect_vreg.gather [hbm4b:s6+s3], $0x80, v3, vm0, $0xb8;
	[tilespmem:$0x18800] =	vst v63  }
0x73: {  	s19 =	simm.s32 $0x10000  }
0x74: {  	[tilespmem:s19], [sflag:$0x2] =	stream.indirect_vreg.gather [hbm4b:s7+s3], $0x80, v3, vm0, $0xb8;
	[tilespmem:$0x18800] =	vst v63  }
0x75: {  	v3 =	vld [tilespmem:$0x100];
	_ =	sdelay $0x4  }
0x76: {  	v36 =	vshll.u32 v3, $0x3  }
0x77: {  	v3 =	vand.u32 $0x7, v3;
	v4 =	vand.u32 $0xFFFFFFC0, v36  }
0x78: {  	v3 =	vor.u32 v3, v4  }
0x79: {  	v4 =	vperm.xlane v3, v0;
	_ =	sdelay $0x1  }
0x7a: {  	v4 =	vadd.s32 v1, v4;
	_ =	sdelay $0x3  }
0x7b: {  	s20 =	simm.s32 $0x10800  }
0x7c: {  	[tilespmem:s20], [sflag:$0x3] =	stream.indirect_vreg.gather [hbm4b:s1+s3], $0x80, v4, vm0, $0xb8;
	[tilespmem:$0x18800] =	vst v63  }
0x7d: {  	s13 =	simm.s32 $0x11000;
	v3 =	vperm.xlane v3, v2  }
0x7e: {  	[tilespmem:s13], [sflag:$0x3] =	stream.indirect_vreg.gather [hbm4b:s5+s3], $0x80, v4, vm0, $0xb8;
	[tilespmem:$0x18800] =	vst v63  }
0x7f: {  	s26 =	simm.s32 $0x11800;
	v3 =	vadd.s32 v1, v3  }
0x80: {  	[tilespmem:s26], [sflag:$0x3] =	stream.indirect_vreg.gather [hbm4b:s6+s3], $0x80, v4, vm0, $0xb8;
	[tilespmem:$0x18800] =	vst v63  }
0x81: {  	s28 =	simm.s32 $0x12000  }
0x82: {  	[tilespmem:s28], [sflag:$0x3] =	stream.indirect_vreg.gather [hbm4b:s7+s3], $0x80, v4, vm0, $0xb8;
	[tilespmem:$0x18800] =	vst v63  }
0x83: {  	s8 =	simm.s32 $0x12800  }
0x84: {  	[tilespmem:s8], [sflag:$0x3] =	stream.indirect_vreg.gather [hbm4b:s1+s3], $0x80, v3, vm0, $0xb8;
	[tilespmem:$0x18800] =	vst v63  }
0x85: {  	s9 =	simm.s32 $0x13000  }
0x86: {  	[tilespmem:s9], [sflag:$0x3] =	stream.indirect_vreg.gather [hbm4b:s5+s3], $0x80, v3, vm0, $0xb8;
	[tilespmem:$0x18800] =	vst v63  }
0x87: {  	s14 =	simm.s32 $0x13800  }
0x88: {  	[tilespmem:s14], [sflag:$0x3] =	stream.indirect_vreg.gather [hbm4b:s6+s3], $0x80, v3, vm0, $0xb8;
	[tilespmem:$0x18800] =	vst v63  }
0x89: {  	s15 =	simm.s32 $0x14000  }
0x8a: {  	[tilespmem:s15], [sflag:$0x3] =	stream.indirect_vreg.gather [hbm4b:s7+s3], $0x80, v3, vm0, $0xb8;
	[tilespmem:$0x18800] =	vst v63  }
0x8b: {  	v3 =	vld [tilespmem:$0x110];
	_ =	sdelay $0x4  }
0x8c: {  	v37 =	vshll.u32 v3, $0x3  }
0x8d: {  	v3 =	vand.u32 $0x7, v3;
	v4 =	vand.u32 $0xFFFFFFC0, v37  }
0x8e: {  	v3 =	vor.u32 v3, v4  }
0x8f: {  	v4 =	vperm.xlane v3, v0;
	_ =	sdelay $0x1  }
0x90: {  	v4 =	vadd.s32 v1, v4;
	_ =	sdelay $0x3  }
0x91: {  	s19 =	simm.s32 $0x14800  }
0x92: {  	[tilespmem:s19], [sflag:$0x3] =	stream.indirect_vreg.gather [hbm4b:s1+s3], $0x80, v4, vm0, $0xb8;
	[tilespmem:$0x18800] =	vst v63  }
0x93: {  	s20 =	simm.s32 $0x15000;
	v3 =	vperm.xlane v3, v2  }
0x94: {  	[tilespmem:s20], [sflag:$0x3] =	stream.indirect_vreg.gather [hbm4b:s5+s3], $0x80, v4, vm0, $0xb8;
	[tilespmem:$0x18800] =	vst v63  }
0x95: {  	s26 =	simm.s32 $0x15800;
	v3 =	vadd.s32 v1, v3  }
0x96: {  	[tilespmem:s26], [sflag:$0x3] =	stream.indirect_vreg.gather [hbm4b:s6+s3], $0x80, v4, vm0, $0xb8;
	[tilespmem:$0x18800] =	vst v63  }
0x97: {  	s28 =	simm.s32 $0x16000  }
0x98: {  	[tilespmem:s28], [sflag:$0x3] =	stream.indirect_vreg.gather [hbm4b:s7+s3], $0x80, v4, vm0, $0xb8;
	[tilespmem:$0x18800] =	vst v63  }
0x99: {  	s8 =	simm.s32 $0x16800  }
0x9a: {  	[tilespmem:s8], [sflag:$0x3] =	stream.indirect_vreg.gather [hbm4b:s1+s3], $0x80, v3, vm0, $0xb8;
	[tilespmem:$0x18800] =	vst v63  }
0x9b: {  	s9 =	simm.s32 $0x17000  }
0x9c: {  	[tilespmem:s9], [sflag:$0x3] =	stream.indirect_vreg.gather [hbm4b:s5+s3], $0x80, v3, vm0, $0xb8;
	[tilespmem:$0x18800] =	vst v63  }
0x9d: {  	s14 =	simm.s32 $0x17800  }
0x9e: {  	[tilespmem:s14], [sflag:$0x3] =	stream.indirect_vreg.gather [hbm4b:s6+s3], $0x80, v3, vm0, $0xb8;
	[tilespmem:$0x18800] =	vst v63  }
0x9f: {  	s15 =	simm.s32 $0x18000  }
0xa0: {  	[tilespmem:s15], [sflag:$0x3] =	stream.indirect_vreg.gather [hbm4b:s7+s3], $0x80, v3, vm0, $0xb8;
	[tilespmem:$0x18800] =	vst v63  }
0xa1: {  	_ =	swait.ge [sflag:s29], $0x8000  }
0xa2: {  	[sflag:s29] =	ssyncset.done $0x0  }
0xa3: {  	s20 =	simm.s32 $0x800;
	s19 =	rddreg [dreg:$0x14];
	[sflag:s29] =	ssyncadd.s32 $0xFFFF8000  }
0xa4: {  	[hbm4b:s19+s3] =	stream.linear.scatter [tilespmem:s20], [sflag:$0x4], $0x8000, $0x38;
	[tilespmem:$0x18800] =	vst v63  }
0xa5: {  	_ =	swait.ge [sflag:s30], $0x8000  }
0xa6: {  	[sflag:s30] =	ssyncset.done $0x0  }
0xa7: {  	[sflag:s30] =	ssyncadd.s32 $0xFFFF8000  }
0xa8: {  	v3 =	vld [tilespmem:$0x180];
	_ =	sdelay $0x4  }
0xa9: {  	v38 =	vshll.u32 v3, $0x3  }
0xaa: {  	v3 =	vand.u32 $0x7, v3;
	v4 =	vand.u32 $0xFFFFFFC0, v38  }
0xab: {  	v3 =	vor.u32 v3, v4  }
0xac: {  	v4 =	vperm.xlane v3, v0;
	_ =	sdelay $0x1  }
0xad: {  	v4 =	vadd.s32 v1, v4;
	_ =	sdelay $0x4  }
0xae: {  	[tilespmem:s20], [sflag:$0x1] =	stream.indirect_vreg.gather [hbm4b:s1+s3], $0x80, v4, vm0, $0xb8;
	[tilespmem:$0x18800] =	vst v63  }
0xaf: {  	s12 =	simm.s32 $0x1000;
	v3 =	vperm.xlane v3, v2  }
0xb0: {  	[tilespmem:s12], [sflag:$0x1] =	stream.indirect_vreg.gather [hbm4b:s5+s3], $0x80, v4, vm0, $0xb8;
	[tilespmem:$0x18800] =	vst v63  }
0xb1: {  	s26 =	simm.s32 $0x1800;
	v3 =	vadd.s32 v1, v3  }
0xb2: {  	[tilespmem:s26], [sflag:$0x1] =	stream.indirect_vreg.gather [hbm4b:s6+s3], $0x80, v4, vm0, $0xb8;
	[tilespmem:$0x18800] =	vst v63  }
0xb3: {  	s12 =	simm.s32 $0x2000  }
0xb4: {  	[tilespmem:s12], [sflag:$0x1] =	stream.indirect_vreg.gather [hbm4b:s7+s3], $0x80, v4, vm0, $0xb8;
	[tilespmem:$0x18800] =	vst v63  }
0xb5: {  	s13 =	simm.s32 $0x2800  }
0xb6: {  	[tilespmem:s13], [sflag:$0x1] =	stream.indirect_vreg.gather [hbm4b:s1+s3], $0x80, v3, vm0, $0xb8;
	[tilespmem:$0x18800] =	vst v63  }
0xb7: {  	s14 =	simm.s32 $0x3000  }
0xb8: {  	[tilespmem:s14], [sflag:$0x1] =	stream.indirect_vreg.gather [hbm4b:s5+s3], $0x80, v3, vm0, $0xb8;
	[tilespmem:$0x18800] =	vst v63  }
0xb9: {  	s15 =	simm.s32 $0x3800  }
0xba: {  	[tilespmem:s15], [sflag:$0x1] =	stream.indirect_vreg.gather [hbm4b:s6+s3], $0x80, v3, vm0, $0xb8;
	[tilespmem:$0x18800] =	vst v63  }
0xbb: {  	s16 =	simm.s32 $0x4000  }
0xbc: {  	[tilespmem:s16], [sflag:$0x1] =	stream.indirect_vreg.gather [hbm4b:s7+s3], $0x80, v3, vm0, $0xb8;
	[tilespmem:$0x18800] =	vst v63  }
0xbd: {  	v3 =	vld [tilespmem:$0x190];
	_ =	sdelay $0x4  }
0xbe: {  	v39 =	vshll.u32 v3, $0x3  }
0xbf: {  	v3 =	vand.u32 $0x7, v3;
	v4 =	vand.u32 $0xFFFFFFC0, v39  }
0xc0: {  	v3 =	vor.u32 v3, v4  }
0xc1: {  	v4 =	vperm.xlane v3, v0;
	_ =	sdelay $0x1  }
0xc2: {  	v4 =	vadd.s32 v1, v4;
	_ =	sdelay $0x3  }
0xc3: {  	s17 =	simm.s32 $0x4800  }
0xc4: {  	[tilespmem:s17], [sflag:$0x1] =	stream.indirect_vreg.gather [hbm4b:s1+s3], $0x80, v4, vm0, $0xb8;
	[tilespmem:$0x18800] =	vst v63  }
0xc5: {  	s18 =	simm.s32 $0x5000;
	v3 =	vperm.xlane v3, v2  }
0xc6: {  	[tilespmem:s18], [sflag:$0x1] =	stream.indirect_vreg.gather [hbm4b:s5+s3], $0x80, v4, vm0, $0xb8;
	[tilespmem:$0x18800] =	vst v63  }
0xc7: {  	s16 =	simm.s32 $0x5800;
	v3 =	vadd.s32 v1, v3  }
0xc8: {  	[tilespmem:s16], [sflag:$0x1] =	stream.indirect_vreg.gather [hbm4b:s6+s3], $0x80, v4, vm0, $0xb8;
	[tilespmem:$0x18800] =	vst v63  }
0xc9: {  	s17 =	simm.s32 $0x6000  }
0xca: {  	[tilespmem:s17], [sflag:$0x1] =	stream.indirect_vreg.gather [hbm4b:s7+s3], $0x80, v4, vm0, $0xb8;
	[tilespmem:$0x18800] =	vst v63  }
0xcb: {  	s18 =	simm.s32 $0x6800  }
0xcc: {  	[tilespmem:s18], [sflag:$0x1] =	stream.indirect_vreg.gather [hbm4b:s1+s3], $0x80, v3, vm0, $0xb8;
	[tilespmem:$0x18800] =	vst v63  }
0xcd: {  	s19 =	simm.s32 $0x7000  }
0xce: {  	[tilespmem:s19], [sflag:$0x1] =	stream.indirect_vreg.gather [hbm4b:s5+s3], $0x80, v3, vm0, $0xb8;
	[tilespmem:$0x18800] =	vst v63  }
0xcf: {  	s20 =	simm.s32 $0x7800  }
0xd0: {  	[tilespmem:s20], [sflag:$0x1] =	stream.indirect_vreg.gather [hbm4b:s6+s3], $0x80, v3, vm0, $0xb8;
	[tilespmem:$0x18800] =	vst v63  }
0xd1: {  	s22 =	simm.s32 $0x8000  }
0xd2: {  	[tilespmem:s22], [sflag:$0x1] =	stream.indirect_vreg.gather [hbm4b:s7+s3], $0x80, v3, vm0, $0xb8;
	[tilespmem:$0x18800] =	vst v63  }
0xd3: {  	_ =	swait.ge [sflag:s10], $0x8000  }
0xd4: {  	[sflag:s10] =	ssyncset.done $0x0  }
0xd5: {  	s8 =	simm.s32 $0x8800;
	s22 =	rddreg [dreg:$0x5];
	[sflag:s10] =	ssyncadd.s32 $0xFFFF8000  }
0xd6: {  	[hbm4b:s22+s3] =	stream.linear.scatter [tilespmem:s8], [sflag:$0x5], $0x8000, $0x38;
	[tilespmem:$0x18800] =	vst v63  }
0xd7: {  	_ =	swait.ge [sflag:s2], $0x8000  }
0xd8: {  	[sflag:s2] =	ssyncset.done $0x0  }
0xd9: {  	[sflag:s2] =	ssyncadd.s32 $0xFFFF8000  }
0xda: {  	v3 =	vld [tilespmem:$0x200];
	_ =	sdelay $0x4  }
0xdb: {  	v40 =	vshll.u32 v3, $0x3  }
0xdc: {  	v3 =	vand.u32 $0x7, v3;
	v4 =	vand.u32 $0xFFFFFFC0, v40  }
0xdd: {  	v3 =	vor.u32 v3, v4  }
0xde: {  	v4 =	vperm.xlane v3, v0;
	_ =	sdelay $0x1  }
0xdf: {  	v4 =	vadd.s32 v1, v4;
	_ =	sdelay $0x4  }
0xe0: {  	[tilespmem:s8], [sflag:$0x2] =	stream.indirect_vreg.gather [hbm4b:s1+s3], $0x80, v4, vm0, $0xb8;
	[tilespmem:$0x18800] =	vst v63  }
0xe1: {  	s21 =	simm.s32 $0x9000;
	v3 =	vperm.xlane v3, v2  }
0xe2: {  	[tilespmem:s21], [sflag:$0x2] =	stream.indirect_vreg.gather [hbm4b:s5+s3], $0x80, v4, vm0, $0xb8;
	[tilespmem:$0x18800] =	vst v63  }
0xe3: {  	v3 =	vadd.s32 v1, v3;
	s8 =	simm.s32 $0x9800  }
0xe4: {  	[tilespmem:s8], [sflag:$0x2] =	stream.indirect_vreg.gather [hbm4b:s6+s3], $0x80, v4, vm0, $0xb8;
	[tilespmem:$0x18800] =	vst v63  }
0xe5: {  	s22 =	simm.s32 $0xA000  }
0xe6: {  	[tilespmem:s22], [sflag:$0x2] =	stream.indirect_vreg.gather [hbm4b:s7+s3], $0x80, v4, vm0, $0xb8;
	[tilespmem:$0x18800] =	vst v63  }
0xe7: {  	s28 =	simm.s32 $0xA800  }
0xe8: {  	[tilespmem:s28], [sflag:$0x2] =	stream.indirect_vreg.gather [hbm4b:s1+s3], $0x80, v3, vm0, $0xb8;
	[tilespmem:$0x18800] =	vst v63  }
0xe9: {  	s21 =	simm.s32 $0xB000  }
0xea: {  	[tilespmem:s21], [sflag:$0x2] =	stream.indirect_vreg.gather [hbm4b:s5+s3], $0x80, v3, vm0, $0xb8;
	[tilespmem:$0x18800] =	vst v63  }
0xeb: {  	s22 =	simm.s32 $0xB800  }
0xec: {  	[tilespmem:s22], [sflag:$0x2] =	stream.indirect_vreg.gather [hbm4b:s6+s3], $0x80, v3, vm0, $0xb8;
	[tilespmem:$0x18800] =	vst v63  }
0xed: {  	s23 =	simm.s32 $0xC000  }
0xee: {  	[tilespmem:s23], [sflag:$0x2] =	stream.indirect_vreg.gather [hbm4b:s7+s3], $0x80, v3, vm0, $0xb8;
	[tilespmem:$0x18800] =	vst v63  }
0xef: {  	v3 =	vld [tilespmem:$0x210];
	_ =	sdelay $0x4  }
0xf0: {  	v41 =	vshll.u32 v3, $0x3  }
0xf1: {  	v3 =	vand.u32 $0x7, v3;
	v4 =	vand.u32 $0xFFFFFFC0, v41  }
0xf2: {  	v3 =	vor.u32 v3, v4  }
0xf3: {  	v4 =	vperm.xlane v3, v0;
	_ =	sdelay $0x1  }
0xf4: {  	v4 =	vadd.s32 v1, v4;
	_ =	sdelay $0x3  }
0xf5: {  	s24 =	simm.s32 $0xC800  }
0xf6: {  	[tilespmem:s24], [sflag:$0x2] =	stream.indirect_vreg.gather [hbm4b:s1+s3], $0x80, v4, vm0, $0xb8;
	[tilespmem:$0x18800] =	vst v63  }
0xf7: {  	s25 =	simm.s32 $0xD000;
	v3 =	vperm.xlane v3, v2  }
0xf8: {  	[tilespmem:s25], [sflag:$0x2] =	stream.indirect_vreg.gather [hbm4b:s5+s3], $0x80, v4, vm0, $0xb8;
	[tilespmem:$0x18800] =	vst v63  }
0xf9: {  	s28 =	simm.s32 $0xD800;
	v3 =	vadd.s32 v1, v3  }
0xfa: {  	[tilespmem:s28], [sflag:$0x2] =	stream.indirect_vreg.gather [hbm4b:s6+s3], $0x80, v4, vm0, $0xb8;
	[tilespmem:$0x18800] =	vst v63  }
0xfb: {  	s21 =	simm.s32 $0xE000  }
0xfc: {  	[tilespmem:s21], [sflag:$0x2] =	stream.indirect_vreg.gather [hbm4b:s7+s3], $0x80, v4, vm0, $0xb8;
	[tilespmem:$0x18800] =	vst v63  }
0xfd: {  	s22 =	simm.s32 $0xE800  }
0xfe: {  	[tilespmem:s22], [sflag:$0x2] =	stream.indirect_vreg.gather [hbm4b:s1+s3], $0x80, v3, vm0, $0xb8;
	[tilespmem:$0x18800] =	vst v63  }
0xff: {  	s23 =	simm.s32 $0xF000  }
0x100: {  	[tilespmem:s23], [sflag:$0x2] =	stream.indirect_vreg.gather [hbm4b:s5+s3], $0x80, v3, vm0, $0xb8;
	[tilespmem:$0x18800] =	vst v63  }
0x101: {  	s24 =	simm.s32 $0xF800  }
0x102: {  	[tilespmem:s24], [sflag:$0x2] =	stream.indirect_vreg.gather [hbm4b:s6+s3], $0x80, v3, vm0, $0xb8;
	[tilespmem:$0x18800] =	vst v63  }
0x103: {  	s31 =	simm.s32 $0x10000  }
0x104: {  	[tilespmem:s31], [sflag:$0x2] =	stream.indirect_vreg.gather [hbm4b:s7+s3], $0x80, v3, vm0, $0xb8;
	[tilespmem:$0x18800] =	vst v63  }
0x105: {  	_ =	swait.ge [sflag:s0], $0x8000  }
0x106: {  	[sflag:s0] =	ssyncset.done $0x0  }
0x107: {  	s11 =	simm.s32 $0x10800;
	s25 =	rddreg [dreg:$0x6];
	[sflag:s0] =	ssyncadd.s32 $0xFFFF8000  }
0x108: {  	[hbm4b:s25+s3] =	stream.linear.scatter [tilespmem:s11], [sflag:$0x6], $0x8000, $0x38;
	[tilespmem:$0x18800] =	vst v63  }
0x109: {  	_ =	swait.ge [sflag:s4], $0x8000  }
0x10a: {  	[sflag:s4] =	ssyncset.done $0x0  }
0x10b: {  	[sflag:s4] =	ssyncadd.s32 $0xFFFF8000  }
0x10c: {  	v3 =	vld [tilespmem:$0x280];
	_ =	sdelay $0x4  }
0x10d: {  	v42 =	vshll.u32 v3, $0x3  }
0x10e: {  	v3 =	vand.u32 $0x7, v3;
	v4 =	vand.u32 $0xFFFFFFC0, v42  }
0x10f: {  	v3 =	vor.u32 v3, v4  }
0x110: {  	v4 =	vperm.xlane v3, v0;
	_ =	sdelay $0x1  }
0x111: {  	v4 =	vadd.s32 v1, v4;
	_ =	sdelay $0x4  }
0x112: {  	[tilespmem:s11], [sflag:$0x3] =	stream.indirect_vreg.gather [hbm4b:s1+s3], $0x80, v4, vm0, $0xb8;
	[tilespmem:$0x18800] =	vst v63  }
0x113: {  	s31 =	simm.s32 $0x11000;
	v3 =	vperm.xlane v3, v2  }
0x114: {  	[tilespmem:s31], [sflag:$0x3] =	stream.indirect_vreg.gather [hbm4b:s5+s3], $0x80, v4, vm0, $0xb8;
	[tilespmem:$0x18800] =	vst v63  }
0x115: {  	s22 =	simm.s32 $0x11800;
	v3 =	vadd.s32 v1, v3  }
0x116: {  	[tilespmem:s22], [sflag:$0x3] =	stream.indirect_vreg.gather [hbm4b:s6+s3], $0x80, v4, vm0, $0xb8;
	[tilespmem:$0x18800] =	vst v63  }
0x117: {  	s23 =	simm.s32 $0x12000  }
0x118: {  	[tilespmem:s23], [sflag:$0x3] =	stream.indirect_vreg.gather [hbm4b:s7+s3], $0x80, v4, vm0, $0xb8;
	[tilespmem:$0x18800] =	vst v63  }
0x119: {  	s24 =	simm.s32 $0x12800  }
0x11a: {  	[tilespmem:s24], [sflag:$0x3] =	stream.indirect_vreg.gather [hbm4b:s1+s3], $0x80, v3, vm0, $0xb8;
	[tilespmem:$0x18800] =	vst v63  }
0x11b: {  	s25 =	simm.s32 $0x13000  }
0x11c: {  	[tilespmem:s25], [sflag:$0x3] =	stream.indirect_vreg.gather [hbm4b:s5+s3], $0x80, v3, vm0, $0xb8;
	[tilespmem:$0x18800] =	vst v63  }
0x11d: {  	s21 =	simm.s32 $0x13800  }
0x11e: {  	[tilespmem:s21], [sflag:$0x3] =	stream.indirect_vreg.gather [hbm4b:s6+s3], $0x80, v3, vm0, $0xb8;
	[tilespmem:$0x18800] =	vst v63  }
0x11f: {  	s11 =	simm.s32 $0x14000  }
0x120: {  	[tilespmem:s11], [sflag:$0x3] =	stream.indirect_vreg.gather [hbm4b:s7+s3], $0x80, v3, vm0, $0xb8;
	[tilespmem:$0x18800] =	vst v63  }
0x121: {  	v3 =	vld [tilespmem:$0x290];
	_ =	sdelay $0x4  }
0x122: {  	v43 =	vshll.u32 v3, $0x3  }
0x123: {  	v3 =	vand.u32 $0x7, v3;
	v4 =	vand.u32 $0xFFFFFFC0, v43  }
0x124: {  	v3 =	vor.u32 v3, v4  }
0x125: {  	v4 =	vperm.xlane v3, v0;
	_ =	sdelay $0x1  }
0x126: {  	v4 =	vadd.s32 v1, v4;
	_ =	sdelay $0x3  }
0x127: {  	s28 =	simm.s32 $0x14800  }
0x128: {  	[tilespmem:s28], [sflag:$0x3] =	stream.indirect_vreg.gather [hbm4b:s1+s3], $0x80, v4, vm0, $0xb8;
	[tilespmem:$0x18800] =	vst v63  }
0x129: {  	s31 =	simm.s32 $0x15000;
	v3 =	vperm.xlane v3, v2  }
0x12a: {  	[tilespmem:s31], [sflag:$0x3] =	stream.indirect_vreg.gather [hbm4b:s5+s3], $0x80, v4, vm0, $0xb8;
	[tilespmem:$0x18800] =	vst v63  }
0x12b: {  	s11 =	simm.s32 $0x15800;
	v3 =	vadd.s32 v1, v3  }
0x12c: {  	[tilespmem:s11], [sflag:$0x3] =	stream.indirect_vreg.gather [hbm4b:s6+s3], $0x80, v4, vm0, $0xb8;
	[tilespmem:$0x18800] =	vst v63  }
0x12d: {  	s11 =	simm.s32 $0x16000  }
0x12e: {  	[tilespmem:s11], [sflag:$0x3] =	stream.indirect_vreg.gather [hbm4b:s7+s3], $0x80, v4, vm0, $0xb8;
	[tilespmem:$0x18800] =	vst v63  }
0x12f: {  	s28 =	simm.s32 $0x16800  }
0x130: {  	[tilespmem:s28], [sflag:$0x3] =	stream.indirect_vreg.gather [hbm4b:s1+s3], $0x80, v3, vm0, $0xb8;
	[tilespmem:$0x18800] =	vst v63  }
0x131: {  	s31 =	simm.s32 $0x17000  }
0x132: {  	[tilespmem:s31], [sflag:$0x3] =	stream.indirect_vreg.gather [hbm4b:s5+s3], $0x80, v3, vm0, $0xb8;
	[tilespmem:$0x18800] =	vst v63  }
0x133: {  	s28 =	simm.s32 $0x17800  }
0x134: {  	[tilespmem:s28], [sflag:$0x3] =	stream.indirect_vreg.gather [hbm4b:s6+s3], $0x80, v3, vm0, $0xb8;
	[tilespmem:$0x18800] =	vst v63  }
0x135: {  	s31 =	simm.s32 $0x18000  }
0x136: {  	[tilespmem:s31], [sflag:$0x3] =	stream.indirect_vreg.gather [hbm4b:s7+s3], $0x80, v3, vm0, $0xb8;
	[tilespmem:$0x18800] =	vst v63  }
0x137: {  	_ =	swait.ge [sflag:s29], $0x8000  }
0x138: {  	[sflag:s29] =	ssyncset.done $0x0  }
0x139: {  	s9 =	simm.s32 $0x800;
	s28 =	rddreg [dreg:$0x7];
	[sflag:s29] =	ssyncadd.s32 $0xFFFF8000  }
0x13a: {  	[hbm4b:s28+s3] =	stream.linear.scatter [tilespmem:s9], [sflag:$0x4], $0x8000, $0x38;
	[tilespmem:$0x18800] =	vst v63  }
0x13b: {  	_ =	swait.ge [sflag:s30], $0x8000  }
0x13c: {  	[sflag:s30] =	ssyncset.done $0x0  }
0x13d: {  	[sflag:s30] =	ssyncadd.s32 $0xFFFF8000  }
0x13e: {  	v3 =	vld [tilespmem:$0x300];
	_ =	sdelay $0x4  }
0x13f: {  	v44 =	vshll.u32 v3, $0x3  }
0x140: {  	v3 =	vand.u32 $0x7, v3;
	v4 =	vand.u32 $0xFFFFFFC0, v44  }
0x141: {  	v3 =	vor.u32 v3, v4  }
0x142: {  	v4 =	vperm.xlane v3, v0;
	_ =	sdelay $0x1  }
0x143: {  	v4 =	vadd.s32 v1, v4;
	_ =	sdelay $0x4  }
0x144: {  	[tilespmem:s9], [sflag:$0x1] =	stream.indirect_vreg.gather [hbm4b:s1+s3], $0x80, v4, vm0, $0xb8;
	[tilespmem:$0x18800] =	vst v63  }
0x145: {  	s31 =	simm.s32 $0x1000;
	v3 =	vperm.xlane v3, v2  }
0x146: {  	[tilespmem:s31], [sflag:$0x1] =	stream.indirect_vreg.gather [hbm4b:s5+s3], $0x80, v4, vm0, $0xb8;
	[tilespmem:$0x18800] =	vst v63  }
0x147: {  	v3 =	vadd.s32 v1, v3  }
0x148: {  	[tilespmem:s26], [sflag:$0x1] =	stream.indirect_vreg.gather [hbm4b:s6+s3], $0x80, v4, vm0, $0xb8;
	[tilespmem:$0x18800] =	vst v63  }
0x149: {  	_ = 	snop  }
0x14a: {  	[tilespmem:s12], [sflag:$0x1] =	stream.indirect_vreg.gather [hbm4b:s7+s3], $0x80, v4, vm0, $0xb8;
	[tilespmem:$0x18800] =	vst v63  }
0x14b: {  	_ = 	snop  }
0x14c: {  	[tilespmem:s13], [sflag:$0x1] =	stream.indirect_vreg.gather [hbm4b:s1+s3], $0x80, v3, vm0, $0xb8;
	[tilespmem:$0x18800] =	vst v63  }
0x14d: {  	_ = 	snop  }
0x14e: {  	[tilespmem:s14], [sflag:$0x1] =	stream.indirect_vreg.gather [hbm4b:s5+s3], $0x80, v3, vm0, $0xb8;
	[tilespmem:$0x18800] =	vst v63  }
0x14f: {  	_ = 	snop  }
0x150: {  	[tilespmem:s15], [sflag:$0x1] =	stream.indirect_vreg.gather [hbm4b:s6+s3], $0x80, v3, vm0, $0xb8;
	[tilespmem:$0x18800] =	vst v63  }
0x151: {  	s13 =	simm.s32 $0x4000  }
0x152: {  	[tilespmem:s13], [sflag:$0x1] =	stream.indirect_vreg.gather [hbm4b:s7+s3], $0x80, v3, vm0, $0xb8;
	[tilespmem:$0x18800] =	vst v63  }
0x153: {  	v3 =	vld [tilespmem:$0x310];
	_ =	sdelay $0x4  }
0x154: {  	v45 =	vshll.u32 v3, $0x3  }
0x155: {  	v3 =	vand.u32 $0x7, v3;
	v4 =	vand.u32 $0xFFFFFFC0, v45  }
0x156: {  	v3 =	vor.u32 v3, v4  }
0x157: {  	v4 =	vperm.xlane v3, v0;
	_ =	sdelay $0x1  }
0x158: {  	v4 =	vadd.s32 v1, v4;
	_ =	sdelay $0x3  }
0x159: {  	s14 =	simm.s32 $0x4800  }
0x15a: {  	[tilespmem:s14], [sflag:$0x1] =	stream.indirect_vreg.gather [hbm4b:s1+s3], $0x80, v4, vm0, $0xb8;
	[tilespmem:$0x18800] =	vst v63  }
0x15b: {  	s15 =	simm.s32 $0x5000;
	v3 =	vperm.xlane v3, v2  }
0x15c: {  	[tilespmem:s15], [sflag:$0x1] =	stream.indirect_vreg.gather [hbm4b:s5+s3], $0x80, v4, vm0, $0xb8;
	[tilespmem:$0x18800] =	vst v63  }
0x15d: {  	v3 =	vadd.s32 v1, v3  }
0x15e: {  	[tilespmem:s16], [sflag:$0x1] =	stream.indirect_vreg.gather [hbm4b:s6+s3], $0x80, v4, vm0, $0xb8;
	[tilespmem:$0x18800] =	vst v63  }
0x15f: {  	_ = 	snop  }
0x160: {  	[tilespmem:s17], [sflag:$0x1] =	stream.indirect_vreg.gather [hbm4b:s7+s3], $0x80, v4, vm0, $0xb8;
	[tilespmem:$0x18800] =	vst v63  }
0x161: {  	_ = 	snop  }
0x162: {  	[tilespmem:s18], [sflag:$0x1] =	stream.indirect_vreg.gather [hbm4b:s1+s3], $0x80, v3, vm0, $0xb8;
	[tilespmem:$0x18800] =	vst v63  }
0x163: {  	_ = 	snop  }
0x164: {  	[tilespmem:s19], [sflag:$0x1] =	stream.indirect_vreg.gather [hbm4b:s5+s3], $0x80, v3, vm0, $0xb8;
	[tilespmem:$0x18800] =	vst v63  }
0x165: {  	_ = 	snop  }
0x166: {  	[tilespmem:s20], [sflag:$0x1] =	stream.indirect_vreg.gather [hbm4b:s6+s3], $0x80, v3, vm0, $0xb8;
	[tilespmem:$0x18800] =	vst v63  }
0x167: {  	s16 =	simm.s32 $0x8000  }
0x168: {  	[tilespmem:s16], [sflag:$0x1] =	stream.indirect_vreg.gather [hbm4b:s7+s3], $0x80, v3, vm0, $0xb8;
	[tilespmem:$0x18800] =	vst v63  }
0x169: {  	_ =	swait.ge [sflag:s10], $0x8000  }
0x16a: {  	[sflag:s10] =	ssyncset.done $0x0  }
0x16b: {  	s18 =	simm.s32 $0x8800;
	s17 =	rddreg [dreg:$0x8];
	[sflag:s10] =	ssyncadd.s32 $0xFFFF8000  }
0x16c: {  	[hbm4b:s17+s3] =	stream.linear.scatter [tilespmem:s18], [sflag:$0x5], $0x8000, $0x38;
	[tilespmem:$0x18800] =	vst v63  }
0x16d: {  	_ =	swait.ge [sflag:s2], $0x8000  }
0x16e: {  	[sflag:s2] =	ssyncset.done $0x0  }
0x16f: {  	[sflag:s2] =	ssyncadd.s32 $0xFFFF8000  }
0x170: {  	v3 =	vld [tilespmem:$0x380];
	_ =	sdelay $0x4  }
0x171: {  	v46 =	vshll.u32 v3, $0x3  }
0x172: {  	v3 =	vand.u32 $0x7, v3;
	v4 =	vand.u32 $0xFFFFFFC0, v46  }
0x173: {  	v3 =	vor.u32 v3, v4  }
0x174: {  	v4 =	vperm.xlane v3, v0;
	_ =	sdelay $0x1  }
0x175: {  	v4 =	vadd.s32 v1, v4;
	_ =	sdelay $0x4  }
0x176: {  	[tilespmem:s18], [sflag:$0x2] =	stream.indirect_vreg.gather [hbm4b:s1+s3], $0x80, v4, vm0, $0xb8;
	[tilespmem:$0x18800] =	vst v63  }
0x177: {  	s31 =	simm.s32 $0x9000;
	v3 =	vperm.xlane v3, v2  }
0x178: {  	[tilespmem:s31], [sflag:$0x2] =	stream.indirect_vreg.gather [hbm4b:s5+s3], $0x80, v4, vm0, $0xb8;
	[tilespmem:$0x18800] =	vst v63  }
0x179: {  	v3 =	vadd.s32 v1, v3  }
0x17a: {  	[tilespmem:s8], [sflag:$0x2] =	stream.indirect_vreg.gather [hbm4b:s6+s3], $0x80, v4, vm0, $0xb8;
	[tilespmem:$0x18800] =	vst v63  }
0x17b: {  	s13 =	simm.s32 $0xA000  }
0x17c: {  	[tilespmem:s13], [sflag:$0x2] =	stream.indirect_vreg.gather [hbm4b:s7+s3], $0x80, v4, vm0, $0xb8;
	[tilespmem:$0x18800] =	vst v63  }
0x17d: {  	s19 =	simm.s32 $0xA800  }
0x17e: {  	[tilespmem:s19], [sflag:$0x2] =	stream.indirect_vreg.gather [hbm4b:s1+s3], $0x80, v3, vm0, $0xb8;
	[tilespmem:$0x18800] =	vst v63  }
0x17f: {  	s20 =	simm.s32 $0xB000  }
0x180: {  	[tilespmem:s20], [sflag:$0x2] =	stream.indirect_vreg.gather [hbm4b:s5+s3], $0x80, v3, vm0, $0xb8;
	[tilespmem:$0x18800] =	vst v63  }
0x181: {  	s16 =	simm.s32 $0xB800  }
0x182: {  	[tilespmem:s16], [sflag:$0x2] =	stream.indirect_vreg.gather [hbm4b:s6+s3], $0x80, v3, vm0, $0xb8;
	[tilespmem:$0x18800] =	vst v63  }
0x183: {  	s26 =	simm.s32 $0xC000  }
0x184: {  	[tilespmem:s26], [sflag:$0x2] =	stream.indirect_vreg.gather [hbm4b:s7+s3], $0x80, v3, vm0, $0xb8;
	[tilespmem:$0x18800] =	vst v63  }
0x185: {  	v3 =	vld [tilespmem:$0x390];
	_ =	sdelay $0x4  }
0x186: {  	v47 =	vshll.u32 v3, $0x3  }
0x187: {  	v3 =	vand.u32 $0x7, v3;
	v4 =	vand.u32 $0xFFFFFFC0, v47  }
0x188: {  	v3 =	vor.u32 v3, v4  }
0x189: {  	v4 =	vperm.xlane v3, v0;
	_ =	sdelay $0x1  }
0x18a: {  	v4 =	vadd.s32 v1, v4;
	_ =	sdelay $0x3  }
0x18b: {  	s28 =	simm.s32 $0xC800  }
0x18c: {  	[tilespmem:s28], [sflag:$0x2] =	stream.indirect_vreg.gather [hbm4b:s1+s3], $0x80, v4, vm0, $0xb8;
	[tilespmem:$0x18800] =	vst v63  }
0x18d: {  	s12 =	simm.s32 $0xD000;
	v3 =	vperm.xlane v3, v2  }
0x18e: {  	[tilespmem:s12], [sflag:$0x2] =	stream.indirect_vreg.gather [hbm4b:s5+s3], $0x80, v4, vm0, $0xb8;
	[tilespmem:$0x18800] =	vst v63  }
0x18f: {  	s17 =	simm.s32 $0xD800;
	v3 =	vadd.s32 v1, v3  }
0x190: {  	[tilespmem:s17], [sflag:$0x2] =	stream.indirect_vreg.gather [hbm4b:s6+s3], $0x80, v4, vm0, $0xb8;
	[tilespmem:$0x18800] =	vst v63  }
0x191: {  	s18 =	simm.s32 $0xE000  }
0x192: {  	[tilespmem:s18], [sflag:$0x2] =	stream.indirect_vreg.gather [hbm4b:s7+s3], $0x80, v4, vm0, $0xb8;
	[tilespmem:$0x18800] =	vst v63  }
0x193: {  	s19 =	simm.s32 $0xE800  }
0x194: {  	[tilespmem:s19], [sflag:$0x2] =	stream.indirect_vreg.gather [hbm4b:s1+s3], $0x80, v3, vm0, $0xb8;
	[tilespmem:$0x18800] =	vst v63  }
0x195: {  	s20 =	simm.s32 $0xF000  }
0x196: {  	[tilespmem:s20], [sflag:$0x2] =	stream.indirect_vreg.gather [hbm4b:s5+s3], $0x80, v3, vm0, $0xb8;
	[tilespmem:$0x18800] =	vst v63  }
0x197: {  	s26 =	simm.s32 $0xF800  }
0x198: {  	[tilespmem:s26], [sflag:$0x2] =	stream.indirect_vreg.gather [hbm4b:s6+s3], $0x80, v3, vm0, $0xb8;
	[tilespmem:$0x18800] =	vst v63  }
0x199: {  	s14 =	simm.s32 $0x10000  }
0x19a: {  	[tilespmem:s14], [sflag:$0x2] =	stream.indirect_vreg.gather [hbm4b:s7+s3], $0x80, v3, vm0, $0xb8;
	[tilespmem:$0x18800] =	vst v63  }
0x19b: {  	_ =	swait.ge [sflag:s0], $0x8000  }
0x19c: {  	[sflag:s0] =	ssyncset.done $0x0  }
0x19d: {  	s8 =	simm.s32 $0x10800;
	s15 =	rddreg [dreg:$0x9];
	[sflag:s0] =	ssyncadd.s32 $0xFFFF8000  }
0x19e: {  	[hbm4b:s15+s3] =	stream.linear.scatter [tilespmem:s8], [sflag:$0x6], $0x8000, $0x38;
	[tilespmem:$0x18800] =	vst v63  }
0x19f: {  	_ =	swait.ge [sflag:s4], $0x8000  }
0x1a0: {  	[sflag:s4] =	ssyncset.done $0x0  }
0x1a1: {  	[sflag:s4] =	ssyncadd.s32 $0xFFFF8000  }
0x1a2: {  	v3 =	vld [tilespmem:$0x400];
	_ =	sdelay $0x4  }
0x1a3: {  	v48 =	vshll.u32 v3, $0x3  }
0x1a4: {  	v3 =	vand.u32 $0x7, v3;
	v4 =	vand.u32 $0xFFFFFFC0, v48  }
0x1a5: {  	v3 =	vor.u32 v3, v4  }
0x1a6: {  	v4 =	vperm.xlane v3, v0;
	_ =	sdelay $0x1  }
0x1a7: {  	v4 =	vadd.s32 v1, v4;
	_ =	sdelay $0x4  }
0x1a8: {  	[tilespmem:s8], [sflag:$0x3] =	stream.indirect_vreg.gather [hbm4b:s1+s3], $0x80, v4, vm0, $0xb8;
	[tilespmem:$0x18800] =	vst v63  }
0x1a9: {  	s12 =	simm.s32 $0x11000;
	v3 =	vperm.xlane v3, v2  }
0x1aa: {  	[tilespmem:s12], [sflag:$0x3] =	stream.indirect_vreg.gather [hbm4b:s5+s3], $0x80, v4, vm0, $0xb8;
	[tilespmem:$0x18800] =	vst v63  }
0x1ab: {  	v3 =	vadd.s32 v1, v3  }
0x1ac: {  	[tilespmem:s22], [sflag:$0x3] =	stream.indirect_vreg.gather [hbm4b:s6+s3], $0x80, v4, vm0, $0xb8;
	[tilespmem:$0x18800] =	vst v63  }
0x1ad: {  	_ = 	snop  }
0x1ae: {  	[tilespmem:s23], [sflag:$0x3] =	stream.indirect_vreg.gather [hbm4b:s7+s3], $0x80, v4, vm0, $0xb8;
	[tilespmem:$0x18800] =	vst v63  }
0x1af: {  	_ = 	snop  }
0x1b0: {  	[tilespmem:s24], [sflag:$0x3] =	stream.indirect_vreg.gather [hbm4b:s1+s3], $0x80, v3, vm0, $0xb8;
	[tilespmem:$0x18800] =	vst v63  }
0x1b1: {  	_ = 	snop  }
0x1b2: {  	[tilespmem:s25], [sflag:$0x3] =	stream.indirect_vreg.gather [hbm4b:s5+s3], $0x80, v3, vm0, $0xb8;
	[tilespmem:$0x18800] =	vst v63  }
0x1b3: {  	_ = 	snop  }
0x1b4: {  	[tilespmem:s21], [sflag:$0x3] =	stream.indirect_vreg.gather [hbm4b:s6+s3], $0x80, v3, vm0, $0xb8;
	[tilespmem:$0x18800] =	vst v63  }
0x1b5: {  	s12 =	simm.s32 $0x14000  }
0x1b6: {  	[tilespmem:s12], [sflag:$0x3] =	stream.indirect_vreg.gather [hbm4b:s7+s3], $0x80, v3, vm0, $0xb8;
	[tilespmem:$0x18800] =	vst v63  }
0x1b7: {  	v3 =	vld [tilespmem:$0x410];
	_ =	sdelay $0x4  }
0x1b8: {  	v49 =	vshll.u32 v3, $0x3  }
0x1b9: {  	v3 =	vand.u32 $0x7, v3;
	v4 =	vand.u32 $0xFFFFFFC0, v49  }
0x1ba: {  	v3 =	vor.u32 v3, v4  }
0x1bb: {  	v4 =	vperm.xlane v3, v0;
	_ =	sdelay $0x1  }
0x1bc: {  	v4 =	vadd.s32 v1, v4;
	_ =	sdelay $0x3  }
0x1bd: {  	s14 =	simm.s32 $0x14800  }
0x1be: {  	[tilespmem:s14], [sflag:$0x3] =	stream.indirect_vreg.gather [hbm4b:s1+s3], $0x80, v4, vm0, $0xb8;
	[tilespmem:$0x18800] =	vst v63  }
0x1bf: {  	v3 =	vperm.xlane v3, v2;
	s14 =	simm.s32 $0x15000  }
0x1c0: {  	[tilespmem:s14], [sflag:$0x3] =	stream.indirect_vreg.gather [hbm4b:s5+s3], $0x80, v4, vm0, $0xb8;
	[tilespmem:$0x18800] =	vst v63  }
0x1c1: {  	s15 =	simm.s32 $0x15800;
	v3 =	vadd.s32 v1, v3  }
0x1c2: {  	[tilespmem:s15], [sflag:$0x3] =	stream.indirect_vreg.gather [hbm4b:s6+s3], $0x80, v4, vm0, $0xb8;
	[tilespmem:$0x18800] =	vst v63  }
0x1c3: {  	_ = 	snop  }
0x1c4: {  	[tilespmem:s11], [sflag:$0x3] =	stream.indirect_vreg.gather [hbm4b:s7+s3], $0x80, v4, vm0, $0xb8;
	[tilespmem:$0x18800] =	vst v63  }
0x1c5: {  	s21 =	simm.s32 $0x16800  }
0x1c6: {  	[tilespmem:s21], [sflag:$0x3] =	stream.indirect_vreg.gather [hbm4b:s1+s3], $0x80, v3, vm0, $0xb8;
	[tilespmem:$0x18800] =	vst v63  }
0x1c7: {  	s11 =	simm.s32 $0x17000  }
0x1c8: {  	[tilespmem:s11], [sflag:$0x3] =	stream.indirect_vreg.gather [hbm4b:s5+s3], $0x80, v3, vm0, $0xb8;
	[tilespmem:$0x18800] =	vst v63  }
0x1c9: {  	s22 =	simm.s32 $0x17800  }
0x1ca: {  	[tilespmem:s22], [sflag:$0x3] =	stream.indirect_vreg.gather [hbm4b:s6+s3], $0x80, v3, vm0, $0xb8;
	[tilespmem:$0x18800] =	vst v63  }
0x1cb: {  	s15 =	simm.s32 $0x18000  }
0x1cc: {  	[tilespmem:s15], [sflag:$0x3] =	stream.indirect_vreg.gather [hbm4b:s7+s3], $0x80, v3, vm0, $0xb8;
	[tilespmem:$0x18800] =	vst v63  }
0x1cd: {  	_ =	swait.ge [sflag:s29], $0x8000  }
0x1ce: {  	[sflag:s29] =	ssyncset.done $0x0  }
0x1cf: {  	s24 =	simm.s32 $0x800;
	s23 =	rddreg [dreg:$0xa];
	[sflag:s29] =	ssyncadd.s32 $0xFFFF8000  }
0x1d0: {  	[hbm4b:s23+s3] =	stream.linear.scatter [tilespmem:s24], [sflag:$0x4], $0x8000, $0x38;
	[tilespmem:$0x18800] =	vst v63  }
0x1d1: {  	_ =	swait.ge [sflag:s30], $0x8000  }
0x1d2: {  	[sflag:s30] =	ssyncset.done $0x0  }
0x1d3: {  	[sflag:s30] =	ssyncadd.s32 $0xFFFF8000  }
0x1d4: {  	v3 =	vld [tilespmem:$0x480];
	_ =	sdelay $0x4  }
0x1d5: {  	v50 =	vshll.u32 v3, $0x3  }
0x1d6: {  	v3 =	vand.u32 $0x7, v3;
	v4 =	vand.u32 $0xFFFFFFC0, v50  }
0x1d7: {  	v3 =	vor.u32 v3, v4  }
0x1d8: {  	v4 =	vperm.xlane v3, v0;
	_ =	sdelay $0x1  }
0x1d9: {  	v4 =	vadd.s32 v1, v4;
	_ =	sdelay $0x4  }
0x1da: {  	[tilespmem:s24], [sflag:$0x1] =	stream.indirect_vreg.gather [hbm4b:s1+s3], $0x80, v4, vm0, $0xb8;
	[tilespmem:$0x18800] =	vst v63  }
0x1db: {  	s25 =	simm.s32 $0x1000;
	v3 =	vperm.xlane v3, v2  }
0x1dc: {  	[tilespmem:s25], [sflag:$0x1] =	stream.indirect_vreg.gather [hbm4b:s5+s3], $0x80, v4, vm0, $0xb8;
	[tilespmem:$0x18800] =	vst v63  }
0x1dd: {  	s21 =	simm.s32 $0x1800;
	v3 =	vadd.s32 v1, v3  }
0x1de: {  	[tilespmem:s21], [sflag:$0x1] =	stream.indirect_vreg.gather [hbm4b:s6+s3], $0x80, v4, vm0, $0xb8;
	[tilespmem:$0x18800] =	vst v63  }
0x1df: {  	s22 =	simm.s32 $0x2000  }
0x1e0: {  	[tilespmem:s22], [sflag:$0x1] =	stream.indirect_vreg.gather [hbm4b:s7+s3], $0x80, v4, vm0, $0xb8;
	[tilespmem:$0x18800] =	vst v63  }
0x1e1: {  	s23 =	simm.s32 $0x2800  }
0x1e2: {  	[tilespmem:s23], [sflag:$0x1] =	stream.indirect_vreg.gather [hbm4b:s1+s3], $0x80, v3, vm0, $0xb8;
	[tilespmem:$0x18800] =	vst v63  }
0x1e3: {  	s24 =	simm.s32 $0x3000  }
0x1e4: {  	[tilespmem:s24], [sflag:$0x1] =	stream.indirect_vreg.gather [hbm4b:s5+s3], $0x80, v3, vm0, $0xb8;
	[tilespmem:$0x18800] =	vst v63  }
0x1e5: {  	s25 =	simm.s32 $0x3800  }
0x1e6: {  	[tilespmem:s25], [sflag:$0x1] =	stream.indirect_vreg.gather [hbm4b:s6+s3], $0x80, v3, vm0, $0xb8;
	[tilespmem:$0x18800] =	vst v63  }
0x1e7: {  	s28 =	simm.s32 $0x4000  }
0x1e8: {  	[tilespmem:s28], [sflag:$0x1] =	stream.indirect_vreg.gather [hbm4b:s7+s3], $0x80, v3, vm0, $0xb8;
	[tilespmem:$0x18800] =	vst v63  }
0x1e9: {  	v3 =	vld [tilespmem:$0x490];
	_ =	sdelay $0x4  }
0x1ea: {  	v51 =	vshll.u32 v3, $0x3  }
0x1eb: {  	v3 =	vand.u32 $0x7, v3;
	v4 =	vand.u32 $0xFFFFFFC0, v51  }
0x1ec: {  	v3 =	vor.u32 v3, v4  }
0x1ed: {  	v4 =	vperm.xlane v3, v0;
	_ =	sdelay $0x1  }
0x1ee: {  	v4 =	vadd.s32 v1, v4;
	_ =	sdelay $0x3  }
0x1ef: {  	s28 =	simm.s32 $0x4800  }
0x1f0: {  	[tilespmem:s28], [sflag:$0x1] =	stream.indirect_vreg.gather [hbm4b:s1+s3], $0x80, v4, vm0, $0xb8;
	[tilespmem:$0x18800] =	vst v63  }
0x1f1: {  	v3 =	vperm.xlane v3, v2;
	s28 =	simm.s32 $0x5000  }
0x1f2: {  	[tilespmem:s28], [sflag:$0x1] =	stream.indirect_vreg.gather [hbm4b:s5+s3], $0x80, v4, vm0, $0xb8;
	[tilespmem:$0x18800] =	vst v63  }
0x1f3: {  	v3 =	vadd.s32 v1, v3;
	s28 =	simm.s32 $0x5800  }
0x1f4: {  	[tilespmem:s28], [sflag:$0x1] =	stream.indirect_vreg.gather [hbm4b:s6+s3], $0x80, v4, vm0, $0xb8;
	[tilespmem:$0x18800] =	vst v63  }
0x1f5: {  	s28 =	simm.s32 $0x6000  }
0x1f6: {  	[tilespmem:s28], [sflag:$0x1] =	stream.indirect_vreg.gather [hbm4b:s7+s3], $0x80, v4, vm0, $0xb8;
	[tilespmem:$0x18800] =	vst v63  }
0x1f7: {  	s28 =	simm.s32 $0x6800  }
0x1f8: {  	[tilespmem:s28], [sflag:$0x1] =	stream.indirect_vreg.gather [hbm4b:s1+s3], $0x80, v3, vm0, $0xb8;
	[tilespmem:$0x18800] =	vst v63  }
0x1f9: {  	s28 =	simm.s32 $0x7000  }
0x1fa: {  	[tilespmem:s28], [sflag:$0x1] =	stream.indirect_vreg.gather [hbm4b:s5+s3], $0x80, v3, vm0, $0xb8;
	[tilespmem:$0x18800] =	vst v63  }
0x1fb: {  	s28 =	simm.s32 $0x7800  }
0x1fc: {  	[tilespmem:s28], [sflag:$0x1] =	stream.indirect_vreg.gather [hbm4b:s6+s3], $0x80, v3, vm0, $0xb8;
	[tilespmem:$0x18800] =	vst v63  }
0x1fd: {  	s28 =	simm.s32 $0x8000  }
0x1fe: {  	[tilespmem:s28], [sflag:$0x1] =	stream.indirect_vreg.gather [hbm4b:s7+s3], $0x80, v3, vm0, $0xb8;
	[tilespmem:$0x18800] =	vst v63  }
0x1ff: {  	_ =	swait.ge [sflag:s10], $0x8000  }
0x200: {  	[sflag:s10] =	ssyncset.done $0x0  }
0x201: {  	s9 =	simm.s32 $0x8800;
	s28 =	rddreg [dreg:$0xb];
	[sflag:s10] =	ssyncadd.s32 $0xFFFF8000  }
0x202: {  	[hbm4b:s28+s3] =	stream.linear.scatter [tilespmem:s9], [sflag:$0x5], $0x8000, $0x38;
	[tilespmem:$0x18800] =	vst v63  }
0x203: {  	_ =	swait.ge [sflag:s2], $0x8000  }
0x204: {  	[sflag:s2] =	ssyncset.done $0x0  }
0x205: {  	[sflag:s2] =	ssyncadd.s32 $0xFFFF8000  }
0x206: {  	v3 =	vld [tilespmem:$0x500];
	_ =	sdelay $0x4  }
0x207: {  	v52 =	vshll.u32 v3, $0x3  }
0x208: {  	v3 =	vand.u32 $0x7, v3;
	v4 =	vand.u32 $0xFFFFFFC0, v52  }
0x209: {  	v3 =	vor.u32 v3, v4  }
0x20a: {  	v4 =	vperm.xlane v3, v0;
	_ =	sdelay $0x1  }
0x20b: {  	v4 =	vadd.s32 v1, v4;
	_ =	sdelay $0x4  }
0x20c: {  	[tilespmem:s9], [sflag:$0x2] =	stream.indirect_vreg.gather [hbm4b:s1+s3], $0x80, v4, vm0, $0xb8;
	[tilespmem:$0x18800] =	vst v63  }
0x20d: {  	v3 =	vperm.xlane v3, v2  }
0x20e: {  	[tilespmem:s31], [sflag:$0x2] =	stream.indirect_vreg.gather [hbm4b:s5+s3], $0x80, v4, vm0, $0xb8;
	[tilespmem:$0x18800] =	vst v63  }
0x20f: {  	s28 =	simm.s32 $0x9800;
	v3 =	vadd.s32 v1, v3  }
0x210: {  	[tilespmem:s28], [sflag:$0x2] =	stream.indirect_vreg.gather [hbm4b:s6+s3], $0x80, v4, vm0, $0xb8;
	[tilespmem:$0x18800] =	vst v63  }
0x211: {  	_ = 	snop  }
0x212: {  	[tilespmem:s13], [sflag:$0x2] =	stream.indirect_vreg.gather [hbm4b:s7+s3], $0x80, v4, vm0, $0xb8;
	[tilespmem:$0x18800] =	vst v63  }
0x213: {  	s28 =	simm.s32 $0xA800  }
0x214: {  	[tilespmem:s28], [sflag:$0x2] =	stream.indirect_vreg.gather [hbm4b:s1+s3], $0x80, v3, vm0, $0xb8;
	[tilespmem:$0x18800] =	vst v63  }
0x215: {  	s13 =	simm.s32 $0xB000  }
0x216: {  	[tilespmem:s13], [sflag:$0x2] =	stream.indirect_vreg.gather [hbm4b:s5+s3], $0x80, v3, vm0, $0xb8;
	[tilespmem:$0x18800] =	vst v63  }
0x217: {  	_ = 	snop  }
0x218: {  	[tilespmem:s16], [sflag:$0x2] =	stream.indirect_vreg.gather [hbm4b:s6+s3], $0x80, v3, vm0, $0xb8;
	[tilespmem:$0x18800] =	vst v63  }
0x219: {  	s28 =	simm.s32 $0xC000  }
0x21a: {  	[tilespmem:s28], [sflag:$0x2] =	stream.indirect_vreg.gather [hbm4b:s7+s3], $0x80, v3, vm0, $0xb8;
	[tilespmem:$0x18800] =	vst v63  }
0x21b: {  	v3 =	vld [tilespmem:$0x510];
	_ =	sdelay $0x4  }
0x21c: {  	v53 =	vshll.u32 v3, $0x3  }
0x21d: {  	v3 =	vand.u32 $0x7, v3;
	v4 =	vand.u32 $0xFFFFFFC0, v53  }
0x21e: {  	v3 =	vor.u32 v3, v4  }
0x21f: {  	v4 =	vperm.xlane v3, v0;
	_ =	sdelay $0x1  }
0x220: {  	v4 =	vadd.s32 v1, v4;
	_ =	sdelay $0x3  }
0x221: {  	s13 =	simm.s32 $0xC800  }
0x222: {  	[tilespmem:s13], [sflag:$0x2] =	stream.indirect_vreg.gather [hbm4b:s1+s3], $0x80, v4, vm0, $0xb8;
	[tilespmem:$0x18800] =	vst v63  }
0x223: {  	s16 =	simm.s32 $0xD000;
	v3 =	vperm.xlane v3, v2  }
0x224: {  	[tilespmem:s16], [sflag:$0x2] =	stream.indirect_vreg.gather [hbm4b:s5+s3], $0x80, v4, vm0, $0xb8;
	[tilespmem:$0x18800] =	vst v63  }
0x225: {  	v3 =	vadd.s32 v1, v3  }
0x226: {  	[tilespmem:s17], [sflag:$0x2] =	stream.indirect_vreg.gather [hbm4b:s6+s3], $0x80, v4, vm0, $0xb8;
	[tilespmem:$0x18800] =	vst v63  }
0x227: {  	_ = 	snop  }
0x228: {  	[tilespmem:s18], [sflag:$0x2] =	stream.indirect_vreg.gather [hbm4b:s7+s3], $0x80, v4, vm0, $0xb8;
	[tilespmem:$0x18800] =	vst v63  }
0x229: {  	_ = 	snop  }
0x22a: {  	[tilespmem:s19], [sflag:$0x2] =	stream.indirect_vreg.gather [hbm4b:s1+s3], $0x80, v3, vm0, $0xb8;
	[tilespmem:$0x18800] =	vst v63  }
0x22b: {  	_ = 	snop  }
0x22c: {  	[tilespmem:s20], [sflag:$0x2] =	stream.indirect_vreg.gather [hbm4b:s5+s3], $0x80, v3, vm0, $0xb8;
	[tilespmem:$0x18800] =	vst v63  }
0x22d: {  	_ = 	snop  }
0x22e: {  	[tilespmem:s26], [sflag:$0x2] =	stream.indirect_vreg.gather [hbm4b:s6+s3], $0x80, v3, vm0, $0xb8;
	[tilespmem:$0x18800] =	vst v63  }
0x22f: {  	s28 =	simm.s32 $0x10000  }
0x230: {  	[tilespmem:s28], [sflag:$0x2] =	stream.indirect_vreg.gather [hbm4b:s7+s3], $0x80, v3, vm0, $0xb8;
	[tilespmem:$0x18800] =	vst v63  }
0x231: {  	_ =	swait.ge [sflag:s0], $0x8000  }
0x232: {  	[sflag:s0] =	ssyncset.done $0x0  }
0x233: {  	s16 =	simm.s32 $0x10800;
	s13 =	rddreg [dreg:$0xc];
	[sflag:s0] =	ssyncadd.s32 $0xFFFF8000  }
0x234: {  	[hbm4b:s13+s3] =	stream.linear.scatter [tilespmem:s16], [sflag:$0x6], $0x8000, $0x38;
	[tilespmem:$0x18800] =	vst v63  }
0x235: {  	_ =	swait.ge [sflag:s4], $0x8000  }
0x236: {  	[sflag:s4] =	ssyncset.done $0x0  }
0x237: {  	[sflag:s4] =	ssyncadd.s32 $0xFFFF8000  }
0x238: {  	v3 =	vld [tilespmem:$0x580];
	_ =	sdelay $0x4  }
0x239: {  	v54 =	vshll.u32 v3, $0x3  }
0x23a: {  	v3 =	vand.u32 $0x7, v3;
	v4 =	vand.u32 $0xFFFFFFC0, v54  }
0x23b: {  	v3 =	vor.u32 v3, v4  }
0x23c: {  	v4 =	vperm.xlane v3, v0;
	_ =	sdelay $0x1  }
0x23d: {  	v4 =	vadd.s32 v1, v4;
	_ =	sdelay $0x4  }
0x23e: {  	[tilespmem:s16], [sflag:$0x3] =	stream.indirect_vreg.gather [hbm4b:s1+s3], $0x80, v4, vm0, $0xb8;
	[tilespmem:$0x18800] =	vst v63  }
0x23f: {  	s13 =	simm.s32 $0x11000;
	v3 =	vperm.xlane v3, v2  }
0x240: {  	[tilespmem:s13], [sflag:$0x3] =	stream.indirect_vreg.gather [hbm4b:s5+s3], $0x80, v4, vm0, $0xb8;
	[tilespmem:$0x18800] =	vst v63  }
0x241: {  	v3 =	vadd.s32 v1, v3;
	s13 =	simm.s32 $0x11800  }
0x242: {  	[tilespmem:s13], [sflag:$0x3] =	stream.indirect_vreg.gather [hbm4b:s6+s3], $0x80, v4, vm0, $0xb8;
	[tilespmem:$0x18800] =	vst v63  }
0x243: {  	s9 =	simm.s32 $0x12000  }
0x244: {  	[tilespmem:s9], [sflag:$0x3] =	stream.indirect_vreg.gather [hbm4b:s7+s3], $0x80, v4, vm0, $0xb8;
	[tilespmem:$0x18800] =	vst v63  }
0x245: {  	s28 =	simm.s32 $0x12800  }
0x246: {  	[tilespmem:s28], [sflag:$0x3] =	stream.indirect_vreg.gather [hbm4b:s1+s3], $0x80, v3, vm0, $0xb8;
	[tilespmem:$0x18800] =	vst v63  }
0x247: {  	s28 =	simm.s32 $0x13000  }
0x248: {  	[tilespmem:s28], [sflag:$0x3] =	stream.indirect_vreg.gather [hbm4b:s5+s3], $0x80, v3, vm0, $0xb8;
	[tilespmem:$0x18800] =	vst v63  }
0x249: {  	s28 =	simm.s32 $0x13800  }
0x24a: {  	[tilespmem:s28], [sflag:$0x3] =	stream.indirect_vreg.gather [hbm4b:s6+s3], $0x80, v3, vm0, $0xb8;
	[tilespmem:$0x18800] =	vst v63  }
0x24b: {  	_ = 	snop  }
0x24c: {  	[tilespmem:s12], [sflag:$0x3] =	stream.indirect_vreg.gather [hbm4b:s7+s3], $0x80, v3, vm0, $0xb8;
	[tilespmem:$0x18800] =	vst v63  }
0x24d: {  	v3 =	vld [tilespmem:$0x590];
	_ =	sdelay $0x4  }
0x24e: {  	v55 =	vshll.u32 v3, $0x3  }
0x24f: {  	v3 =	vand.u32 $0x7, v3;
	v4 =	vand.u32 $0xFFFFFFC0, v55  }
0x250: {  	v3 =	vor.u32 v3, v4  }
0x251: {  	v4 =	vperm.xlane v3, v0;
	_ =	sdelay $0x1  }
0x252: {  	v4 =	vadd.s32 v1, v4;
	_ =	sdelay $0x3  }
0x253: {  	s28 =	simm.s32 $0x14800  }
0x254: {  	[tilespmem:s28], [sflag:$0x3] =	stream.indirect_vreg.gather [hbm4b:s1+s3], $0x80, v4, vm0, $0xb8;
	[tilespmem:$0x18800] =	vst v63  }
0x255: {  	v3 =	vperm.xlane v3, v2  }
0x256: {  	[tilespmem:s14], [sflag:$0x3] =	stream.indirect_vreg.gather [hbm4b:s5+s3], $0x80, v4, vm0, $0xb8;
	[tilespmem:$0x18800] =	vst v63  }
0x257: {  	v3 =	vadd.s32 v1, v3;
	s28 =	simm.s32 $0x15800  }
0x258: {  	[tilespmem:s28], [sflag:$0x3] =	stream.indirect_vreg.gather [hbm4b:s6+s3], $0x80, v4, vm0, $0xb8;
	[tilespmem:$0x18800] =	vst v63  }
0x259: {  	s28 =	simm.s32 $0x16000  }
0x25a: {  	[tilespmem:s28], [sflag:$0x3] =	stream.indirect_vreg.gather [hbm4b:s7+s3], $0x80, v4, vm0, $0xb8;
	[tilespmem:$0x18800] =	vst v63  }
0x25b: {  	s28 =	simm.s32 $0x16800  }
0x25c: {  	[tilespmem:s28], [sflag:$0x3] =	stream.indirect_vreg.gather [hbm4b:s1+s3], $0x80, v3, vm0, $0xb8;
	[tilespmem:$0x18800] =	vst v63  }
0x25d: {  	_ = 	snop  }
0x25e: {  	[tilespmem:s11], [sflag:$0x3] =	stream.indirect_vreg.gather [hbm4b:s5+s3], $0x80, v3, vm0, $0xb8;
	[tilespmem:$0x18800] =	vst v63  }
0x25f: {  	s28 =	simm.s32 $0x17800  }
0x260: {  	[tilespmem:s28], [sflag:$0x3] =	stream.indirect_vreg.gather [hbm4b:s6+s3], $0x80, v3, vm0, $0xb8;
	[tilespmem:$0x18800] =	vst v63  }
0x261: {  	_ = 	snop  }
0x262: {  	[tilespmem:s15], [sflag:$0x3] =	stream.indirect_vreg.gather [hbm4b:s7+s3], $0x80, v3, vm0, $0xb8;
	[tilespmem:$0x18800] =	vst v63  }
0x263: {  	_ =	swait.ge [sflag:s29], $0x8000  }
0x264: {  	[sflag:s29] =	ssyncset.done $0x0  }
0x265: {  	s8 =	simm.s32 $0x800;
	s15 =	rddreg [dreg:$0xd];
	[sflag:s29] =	ssyncadd.s32 $0xFFFF8000  }
0x266: {  	[hbm4b:s15+s3] =	stream.linear.scatter [tilespmem:s8], [sflag:$0x4], $0x8000, $0x38;
	[tilespmem:$0x18800] =	vst v63  }
0x267: {  	_ =	swait.ge [sflag:s30], $0x8000  }
0x268: {  	[sflag:s30] =	ssyncset.done $0x0  }
0x269: {  	[sflag:s30] =	ssyncadd.s32 $0xFFFF8000  }
0x26a: {  	v3 =	vld [tilespmem:$0x600];
	_ =	sdelay $0x4  }
0x26b: {  	v56 =	vshll.u32 v3, $0x3  }
0x26c: {  	v3 =	vand.u32 $0x7, v3;
	v4 =	vand.u32 $0xFFFFFFC0, v56  }
0x26d: {  	v3 =	vor.u32 v3, v4  }
0x26e: {  	v4 =	vperm.xlane v3, v0;
	_ =	sdelay $0x1  }
0x26f: {  	v4 =	vadd.s32 v1, v4;
	_ =	sdelay $0x4  }
0x270: {  	[tilespmem:s8], [sflag:$0x1] =	stream.indirect_vreg.gather [hbm4b:s1+s3], $0x80, v4, vm0, $0xb8;
	[tilespmem:$0x18800] =	vst v63  }
0x271: {  	s28 =	simm.s32 $0x1000;
	v3 =	vperm.xlane v3, v2  }
0x272: {  	[tilespmem:s28], [sflag:$0x1] =	stream.indirect_vreg.gather [hbm4b:s5+s3], $0x80, v4, vm0, $0xb8;
	[tilespmem:$0x18800] =	vst v63  }
0x273: {  	v3 =	vadd.s32 v1, v3  }
0x274: {  	[tilespmem:s21], [sflag:$0x1] =	stream.indirect_vreg.gather [hbm4b:s6+s3], $0x80, v4, vm0, $0xb8;
	[tilespmem:$0x18800] =	vst v63  }
0x275: {  	_ = 	snop  }
0x276: {  	[tilespmem:s22], [sflag:$0x1] =	stream.indirect_vreg.gather [hbm4b:s7+s3], $0x80, v4, vm0, $0xb8;
	[tilespmem:$0x18800] =	vst v63  }
0x277: {  	_ = 	snop  }
0x278: {  	[tilespmem:s23], [sflag:$0x1] =	stream.indirect_vreg.gather [hbm4b:s1+s3], $0x80, v3, vm0, $0xb8;
	[tilespmem:$0x18800] =	vst v63  }
0x279: {  	_ = 	snop  }
0x27a: {  	[tilespmem:s24], [sflag:$0x1] =	stream.indirect_vreg.gather [hbm4b:s5+s3], $0x80, v3, vm0, $0xb8;
	[tilespmem:$0x18800] =	vst v63  }
0x27b: {  	_ = 	snop  }
0x27c: {  	[tilespmem:s25], [sflag:$0x1] =	stream.indirect_vreg.gather [hbm4b:s6+s3], $0x80, v3, vm0, $0xb8;
	[tilespmem:$0x18800] =	vst v63  }
0x27d: {  	s8 =	simm.s32 $0x4000  }
0x27e: {  	[tilespmem:s8], [sflag:$0x1] =	stream.indirect_vreg.gather [hbm4b:s7+s3], $0x80, v3, vm0, $0xb8;
	[tilespmem:$0x18800] =	vst v63  }
0x27f: {  	v3 =	vld [tilespmem:$0x610];
	_ =	sdelay $0x4  }
0x280: {  	v57 =	vshll.u32 v3, $0x3  }
0x281: {  	v3 =	vand.u32 $0x7, v3;
	v4 =	vand.u32 $0xFFFFFFC0, v57  }
0x282: {  	v3 =	vor.u32 v3, v4  }
0x283: {  	v4 =	vperm.xlane v3, v0;
	_ =	sdelay $0x1  }
0x284: {  	v4 =	vadd.s32 v1, v4;
	_ =	sdelay $0x3  }
0x285: {  	s28 =	simm.s32 $0x4800  }
0x286: {  	[tilespmem:s28], [sflag:$0x1] =	stream.indirect_vreg.gather [hbm4b:s1+s3], $0x80, v4, vm0, $0xb8;
	[tilespmem:$0x18800] =	vst v63  }
0x287: {  	s8 =	simm.s32 $0x5000;
	v3 =	vperm.xlane v3, v2  }
0x288: {  	[tilespmem:s8], [sflag:$0x1] =	stream.indirect_vreg.gather [hbm4b:s5+s3], $0x80, v4, vm0, $0xb8;
	[tilespmem:$0x18800] =	vst v63  }
0x289: {  	v3 =	vadd.s32 v1, v3;
	s28 =	simm.s32 $0x5800  }
0x28a: {  	[tilespmem:s28], [sflag:$0x1] =	stream.indirect_vreg.gather [hbm4b:s6+s3], $0x80, v4, vm0, $0xb8;
	[tilespmem:$0x18800] =	vst v63  }
0x28b: {  	s8 =	simm.s32 $0x6000  }
0x28c: {  	[tilespmem:s8], [sflag:$0x1] =	stream.indirect_vreg.gather [hbm4b:s7+s3], $0x80, v4, vm0, $0xb8;
	[tilespmem:$0x18800] =	vst v63  }
0x28d: {  	s8 =	simm.s32 $0x6800  }
0x28e: {  	[tilespmem:s8], [sflag:$0x1] =	stream.indirect_vreg.gather [hbm4b:s1+s3], $0x80, v3, vm0, $0xb8;
	[tilespmem:$0x18800] =	vst v63  }
0x28f: {  	s8 =	simm.s32 $0x7000  }
0x290: {  	[tilespmem:s8], [sflag:$0x1] =	stream.indirect_vreg.gather [hbm4b:s5+s3], $0x80, v3, vm0, $0xb8;
	[tilespmem:$0x18800] =	vst v63  }
0x291: {  	s8 =	simm.s32 $0x7800  }
0x292: {  	[tilespmem:s8], [sflag:$0x1] =	stream.indirect_vreg.gather [hbm4b:s6+s3], $0x80, v3, vm0, $0xb8;
	[tilespmem:$0x18800] =	vst v63  }
0x293: {  	s8 =	simm.s32 $0x8000  }
0x294: {  	[tilespmem:s8], [sflag:$0x1] =	stream.indirect_vreg.gather [hbm4b:s7+s3], $0x80, v3, vm0, $0xb8;
	[tilespmem:$0x18800] =	vst v63  }
0x295: {  	_ =	swait.ge [sflag:s10], $0x8000  }
0x296: {  	[sflag:s10] =	ssyncset.done $0x0  }
0x297: {  	s8 =	simm.s32 $0x8800;
	s28 =	rddreg [dreg:$0xe];
	[sflag:s10] =	ssyncadd.s32 $0xFFFF8000  }
0x298: {  	[hbm4b:s28+s3] =	stream.linear.scatter [tilespmem:s8], [sflag:$0x5], $0x8000, $0x38;
	[tilespmem:$0x18800] =	vst v63  }
0x299: {  	_ =	swait.ge [sflag:s2], $0x8000  }
0x29a: {  	[sflag:s2] =	ssyncset.done $0x0  }
0x29b: {  	[sflag:s2] =	ssyncadd.s32 $0xFFFF8000  }
0x29c: {  	v3 =	vld [tilespmem:$0x680];
	_ =	sdelay $0x4  }
0x29d: {  	v58 =	vshll.u32 v3, $0x3  }
0x29e: {  	v3 =	vand.u32 $0x7, v3;
	v4 =	vand.u32 $0xFFFFFFC0, v58  }
0x29f: {  	v3 =	vor.u32 v3, v4  }
0x2a0: {  	v4 =	vperm.xlane v3, v0;
	_ =	sdelay $0x1  }
0x2a1: {  	v4 =	vadd.s32 v1, v4;
	_ =	sdelay $0x4  }
0x2a2: {  	[tilespmem:s8], [sflag:$0x2] =	stream.indirect_vreg.gather [hbm4b:s1+s3], $0x80, v4, vm0, $0xb8;
	[tilespmem:$0x18800] =	vst v63  }
0x2a3: {  	s31 =	simm.s32 $0x9000;
	v3 =	vperm.xlane v3, v2  }
0x2a4: {  	[tilespmem:s31], [sflag:$0x2] =	stream.indirect_vreg.gather [hbm4b:s5+s3], $0x80, v4, vm0, $0xb8;
	[tilespmem:$0x18800] =	vst v63  }
0x2a5: {  	v3 =	vadd.s32 v1, v3;
	s31 =	simm.s32 $0x9800  }
0x2a6: {  	[tilespmem:s31], [sflag:$0x2] =	stream.indirect_vreg.gather [hbm4b:s6+s3], $0x80, v4, vm0, $0xb8;
	[tilespmem:$0x18800] =	vst v63  }
0x2a7: {  	s31 =	simm.s32 $0xA000  }
0x2a8: {  	[tilespmem:s31], [sflag:$0x2] =	stream.indirect_vreg.gather [hbm4b:s7+s3], $0x80, v4, vm0, $0xb8;
	[tilespmem:$0x18800] =	vst v63  }
0x2a9: {  	s31 =	simm.s32 $0xA800  }
0x2aa: {  	[tilespmem:s31], [sflag:$0x2] =	stream.indirect_vreg.gather [hbm4b:s1+s3], $0x80, v3, vm0, $0xb8;
	[tilespmem:$0x18800] =	vst v63  }
0x2ab: {  	s31 =	simm.s32 $0xB000  }
0x2ac: {  	[tilespmem:s31], [sflag:$0x2] =	stream.indirect_vreg.gather [hbm4b:s5+s3], $0x80, v3, vm0, $0xb8;
	[tilespmem:$0x18800] =	vst v63  }
0x2ad: {  	s31 =	simm.s32 $0xB800  }
0x2ae: {  	[tilespmem:s31], [sflag:$0x2] =	stream.indirect_vreg.gather [hbm4b:s6+s3], $0x80, v3, vm0, $0xb8;
	[tilespmem:$0x18800] =	vst v63  }
0x2af: {  	s31 =	simm.s32 $0xC000  }
0x2b0: {  	[tilespmem:s31], [sflag:$0x2] =	stream.indirect_vreg.gather [hbm4b:s7+s3], $0x80, v3, vm0, $0xb8;
	[tilespmem:$0x18800] =	vst v63  }
0x2b1: {  	v3 =	vld [tilespmem:$0x690];
	_ =	sdelay $0x4  }
0x2b2: {  	v59 =	vshll.u32 v3, $0x3  }
0x2b3: {  	v3 =	vand.u32 $0x7, v3;
	v4 =	vand.u32 $0xFFFFFFC0, v59  }
0x2b4: {  	v3 =	vor.u32 v3, v4  }
0x2b5: {  	v4 =	vperm.xlane v3, v0;
	_ =	sdelay $0x1  }
0x2b6: {  	v4 =	vadd.s32 v1, v4;
	_ =	sdelay $0x3  }
0x2b7: {  	s31 =	simm.s32 $0xC800  }
0x2b8: {  	[tilespmem:s31], [sflag:$0x2] =	stream.indirect_vreg.gather [hbm4b:s1+s3], $0x80, v4, vm0, $0xb8;
	[tilespmem:$0x18800] =	vst v63  }
0x2b9: {  	v3 =	vperm.xlane v3, v2;
	s31 =	simm.s32 $0xD000  }
0x2ba: {  	[tilespmem:s31], [sflag:$0x2] =	stream.indirect_vreg.gather [hbm4b:s5+s3], $0x80, v4, vm0, $0xb8;
	[tilespmem:$0x18800] =	vst v63  }
0x2bb: {  	s17 =	simm.s32 $0xD800;
	v3 =	vadd.s32 v1, v3  }
0x2bc: {  	[tilespmem:s17], [sflag:$0x2] =	stream.indirect_vreg.gather [hbm4b:s6+s3], $0x80, v4, vm0, $0xb8;
	[tilespmem:$0x18800] =	vst v63  }
0x2bd: {  	s18 =	simm.s32 $0xE000  }
0x2be: {  	[tilespmem:s18], [sflag:$0x2] =	stream.indirect_vreg.gather [hbm4b:s7+s3], $0x80, v4, vm0, $0xb8;
	[tilespmem:$0x18800] =	vst v63  }
0x2bf: {  	s19 =	simm.s32 $0xE800  }
0x2c0: {  	[tilespmem:s19], [sflag:$0x2] =	stream.indirect_vreg.gather [hbm4b:s1+s3], $0x80, v3, vm0, $0xb8;
	[tilespmem:$0x18800] =	vst v63  }
0x2c1: {  	s20 =	simm.s32 $0xF000  }
0x2c2: {  	[tilespmem:s20], [sflag:$0x2] =	stream.indirect_vreg.gather [hbm4b:s5+s3], $0x80, v3, vm0, $0xb8;
	[tilespmem:$0x18800] =	vst v63  }
0x2c3: {  	s26 =	simm.s32 $0xF800  }
0x2c4: {  	[tilespmem:s26], [sflag:$0x2] =	stream.indirect_vreg.gather [hbm4b:s6+s3], $0x80, v3, vm0, $0xb8;
	[tilespmem:$0x18800] =	vst v63  }
0x2c5: {  	s20 =	simm.s32 $0x10000  }
0x2c6: {  	[tilespmem:s20], [sflag:$0x2] =	stream.indirect_vreg.gather [hbm4b:s7+s3], $0x80, v3, vm0, $0xb8;
	[tilespmem:$0x18800] =	vst v63  }
0x2c7: {  	_ =	swait.ge [sflag:s0], $0x8000  }
0x2c8: {  	[sflag:s0] =	ssyncset.done $0x0  }
0x2c9: {  	s16 =	simm.s32 $0x10800;
	s26 =	rddreg [dreg:$0xf];
	[sflag:s0] =	ssyncadd.s32 $0xFFFF8000  }
0x2ca: {  	[hbm4b:s26+s3] =	stream.linear.scatter [tilespmem:s16], [sflag:$0x6], $0x8000, $0x38;
	[tilespmem:$0x18800] =	vst v63  }
0x2cb: {  	_ =	swait.ge [sflag:s4], $0x8000  }
0x2cc: {  	[sflag:s4] =	ssyncset.done $0x0  }
0x2cd: {  	[sflag:s4] =	ssyncadd.s32 $0xFFFF8000  }
0x2ce: {  	v3 =	vld [tilespmem:$0x700];
	_ =	sdelay $0x4  }
0x2cf: {  	v60 =	vshll.u32 v3, $0x3  }
0x2d0: {  	v3 =	vand.u32 $0x7, v3;
	v4 =	vand.u32 $0xFFFFFFC0, v60  }
0x2d1: {  	v3 =	vor.u32 v3, v4  }
0x2d2: {  	v4 =	vperm.xlane v3, v0;
	_ =	sdelay $0x1  }
0x2d3: {  	v4 =	vadd.s32 v1, v4;
	_ =	sdelay $0x4  }
0x2d4: {  	[tilespmem:s16], [sflag:$0x3] =	stream.indirect_vreg.gather [hbm4b:s1+s3], $0x80, v4, vm0, $0xb8;
	[tilespmem:$0x18800] =	vst v63  }
0x2d5: {  	s28 =	simm.s32 $0x11000;
	v3 =	vperm.xlane v3, v2  }
0x2d6: {  	[tilespmem:s28], [sflag:$0x3] =	stream.indirect_vreg.gather [hbm4b:s5+s3], $0x80, v4, vm0, $0xb8;
	[tilespmem:$0x18800] =	vst v63  }
0x2d7: {  	v3 =	vadd.s32 v1, v3  }
0x2d8: {  	[tilespmem:s13], [sflag:$0x3] =	stream.indirect_vreg.gather [hbm4b:s6+s3], $0x80, v4, vm0, $0xb8;
	[tilespmem:$0x18800] =	vst v63  }
0x2d9: {  	_ = 	snop  }
0x2da: {  	[tilespmem:s9], [sflag:$0x3] =	stream.indirect_vreg.gather [hbm4b:s7+s3], $0x80, v4, vm0, $0xb8;
	[tilespmem:$0x18800] =	vst v63  }
0x2db: {  	s31 =	simm.s32 $0x12800  }
0x2dc: {  	[tilespmem:s31], [sflag:$0x3] =	stream.indirect_vreg.gather [hbm4b:s1+s3], $0x80, v3, vm0, $0xb8;
	[tilespmem:$0x18800] =	vst v63  }
0x2dd: {  	s13 =	simm.s32 $0x13000  }
0x2de: {  	[tilespmem:s13], [sflag:$0x3] =	stream.indirect_vreg.gather [hbm4b:s5+s3], $0x80, v3, vm0, $0xb8;
	[tilespmem:$0x18800] =	vst v63  }
0x2df: {  	s17 =	simm.s32 $0x13800  }
0x2e0: {  	[tilespmem:s17], [sflag:$0x3] =	stream.indirect_vreg.gather [hbm4b:s6+s3], $0x80, v3, vm0, $0xb8;
	[tilespmem:$0x18800] =	vst v63  }
0x2e1: {  	s18 =	simm.s32 $0x14000  }
0x2e2: {  	[tilespmem:s18], [sflag:$0x3] =	stream.indirect_vreg.gather [hbm4b:s7+s3], $0x80, v3, vm0, $0xb8;
	[tilespmem:$0x18800] =	vst v63  }
0x2e3: {  	v3 =	vld [tilespmem:$0x710];
	_ =	sdelay $0x4  }
0x2e4: {  	v61 =	vshll.u32 v3, $0x3  }
0x2e5: {  	v3 =	vand.u32 $0x7, v3;
	v4 =	vand.u32 $0xFFFFFFC0, v61  }
0x2e6: {  	v3 =	vor.u32 v3, v4  }
0x2e7: {  	v4 =	vperm.xlane v3, v0;
	_ =	sdelay $0x1  }
0x2e8: {  	v4 =	vadd.s32 v1, v4;
	_ =	sdelay $0x3  }
0x2e9: {  	s12 =	simm.s32 $0x14800  }
0x2ea: {  	[tilespmem:s12], [sflag:$0x3] =	stream.indirect_vreg.gather [hbm4b:s1+s3], $0x80, v4, vm0, $0xb8;
	[tilespmem:$0x18800] =	vst v63  }
0x2eb: {  	s14 =	simm.s32 $0x15000;
	v3 =	vperm.xlane v3, v2  }
0x2ec: {  	[tilespmem:s14], [sflag:$0x3] =	stream.indirect_vreg.gather [hbm4b:s5+s3], $0x80, v4, vm0, $0xb8;
	[tilespmem:$0x18800] =	vst v63  }
0x2ed: {  	s19 =	simm.s32 $0x15800;
	v3 =	vadd.s32 v1, v3  }
0x2ee: {  	[tilespmem:s19], [sflag:$0x3] =	stream.indirect_vreg.gather [hbm4b:s6+s3], $0x80, v4, vm0, $0xb8;
	[tilespmem:$0x18800] =	vst v63  }
0x2ef: {  	s20 =	simm.s32 $0x16000  }
0x2f0: {  	[tilespmem:s20], [sflag:$0x3] =	stream.indirect_vreg.gather [hbm4b:s7+s3], $0x80, v4, vm0, $0xb8;
	[tilespmem:$0x18800] =	vst v63  }
0x2f1: {  	s26 =	simm.s32 $0x16800  }
0x2f2: {  	[tilespmem:s26], [sflag:$0x3] =	stream.indirect_vreg.gather [hbm4b:s1+s3], $0x80, v3, vm0, $0xb8;
	[tilespmem:$0x18800] =	vst v63  }
0x2f3: {  	s11 =	simm.s32 $0x17000  }
0x2f4: {  	[tilespmem:s11], [sflag:$0x3] =	stream.indirect_vreg.gather [hbm4b:s5+s3], $0x80, v3, vm0, $0xb8;
	[tilespmem:$0x18800] =	vst v63  }
0x2f5: {  	s28 =	simm.s32 $0x17800  }
0x2f6: {  	[tilespmem:s28], [sflag:$0x3] =	stream.indirect_vreg.gather [hbm4b:s6+s3], $0x80, v3, vm0, $0xb8;
	[tilespmem:$0x18800] =	vst v63  }
0x2f7: {  	s31 =	simm.s32 $0x18000  }
0x2f8: {  	[tilespmem:s31], [sflag:$0x3] =	stream.indirect_vreg.gather [hbm4b:s7+s3], $0x80, v3, vm0, $0xb8;
	[tilespmem:$0x18800] =	vst v63  }
0x2f9: {  	_ =	swait.ge [sflag:s29], $0x8000  }
0x2fa: {  	[sflag:s29] =	ssyncset.done $0x0  }
0x2fb: {  	s12 =	simm.s32 $0x800;
	s11 =	rddreg [dreg:$0x10];
	[sflag:s29] =	ssyncadd.s32 $0xFFFF8000  }
0x2fc: {  	[hbm4b:s11+s3] =	stream.linear.scatter [tilespmem:s12], [sflag:$0x4], $0x8000, $0x38;
	[tilespmem:$0x18800] =	vst v63  }
0x2fd: {  	_ =	swait.ge [sflag:s30], $0x8000  }
0x2fe: {  	[sflag:s30] =	ssyncset.done $0x0  }
0x2ff: {  	[sflag:s30] =	ssyncadd.s32 $0xFFFF8000  }
0x300: {  	v3 =	vld [tilespmem:$0x780];
	_ =	sdelay $0x4  }
0x301: {  	v62 =	vshll.u32 v3, $0x3  }
0x302: {  	v3 =	vand.u32 $0x7, v3;
	v4 =	vand.u32 $0xFFFFFFC0, v62  }
0x303: {  	v3 =	vor.u32 v3, v4  }
0x304: {  	v4 =	vperm.xlane v3, v0;
	_ =	sdelay $0x1  }
0x305: {  	v4 =	vadd.s32 v1, v4;
	_ =	sdelay $0x4  }
0x306: {  	[tilespmem:s12], [sflag:$0x1] =	stream.indirect_vreg.gather [hbm4b:s1+s3], $0x80, v4, vm0, $0xb8;
	[tilespmem:$0x18800] =	vst v63  }
0x307: {  	s14 =	simm.s32 $0x1000;
	v3 =	vperm.xlane v3, v2  }
0x308: {  	[tilespmem:s14], [sflag:$0x1] =	stream.indirect_vreg.gather [hbm4b:s5+s3], $0x80, v4, vm0, $0xb8;
	[tilespmem:$0x18800] =	vst v63  }
0x309: {  	s15 =	simm.s32 $0x1800;
	v3 =	vadd.s32 v1, v3  }
0x30a: {  	[tilespmem:s15], [sflag:$0x1] =	stream.indirect_vreg.gather [hbm4b:s6+s3], $0x80, v4, vm0, $0xb8;
	[tilespmem:$0x18800] =	vst v63  }
0x30b: {  	s21 =	simm.s32 $0x2000  }
0x30c: {  	[tilespmem:s21], [sflag:$0x1] =	stream.indirect_vreg.gather [hbm4b:s7+s3], $0x80, v4, vm0, $0xb8;
	[tilespmem:$0x18800] =	vst v63  }
0x30d: {  	s22 =	simm.s32 $0x2800  }
0x30e: {  	[tilespmem:s22], [sflag:$0x1] =	stream.indirect_vreg.gather [hbm4b:s1+s3], $0x80, v3, vm0, $0xb8;
	[tilespmem:$0x18800] =	vst v63  }
0x30f: {  	s23 =	simm.s32 $0x3000  }
0x310: {  	[tilespmem:s23], [sflag:$0x1] =	stream.indirect_vreg.gather [hbm4b:s5+s3], $0x80, v3, vm0, $0xb8;
	[tilespmem:$0x18800] =	vst v63  }
0x311: {  	s24 =	simm.s32 $0x3800  }
0x312: {  	[tilespmem:s24], [sflag:$0x1] =	stream.indirect_vreg.gather [hbm4b:s6+s3], $0x80, v3, vm0, $0xb8;
	[tilespmem:$0x18800] =	vst v63  }
0x313: {  	s15 =	simm.s32 $0x4000  }
0x314: {  	[tilespmem:s15], [sflag:$0x1] =	stream.indirect_vreg.gather [hbm4b:s7+s3], $0x80, v3, vm0, $0xb8;
	[tilespmem:$0x18800] =	vst v63  }
0x315: {  	v3 =	vld [tilespmem:$0x790];
	_ =	sdelay $0x4  }
0x316: {  	v63 =	vshll.u32 v3, $0x3  }
0x317: {  	v3 =	vand.u32 $0x7, v3;
	v4 =	vand.u32 $0xFFFFFFC0, v63  }
0x318: {  	v3 =	vor.u32 v3, v4  }
0x319: {  	v4 =	vperm.xlane v3, v0;
	_ =	sdelay $0x1  }
0x31a: {  	v4 =	vadd.s32 v1, v4;
	_ =	sdelay $0x3  }
0x31b: {  	s17 =	simm.s32 $0x4800  }
0x31c: {  	[tilespmem:s17], [sflag:$0x1] =	stream.indirect_vreg.gather [hbm4b:s1+s3], $0x80, v4, vm0, $0xb8;
	[tilespmem:$0x18800] =	vst v63  }
0x31d: {  	s18 =	simm.s32 $0x5000;
	v3 =	vperm.xlane v3, v2  }
0x31e: {  	[tilespmem:s18], [sflag:$0x1] =	stream.indirect_vreg.gather [hbm4b:s5+s3], $0x80, v4, vm0, $0xb8;
	[tilespmem:$0x18800] =	vst v63  }
0x31f: {  	s25 =	simm.s32 $0x5800;
	v3 =	vadd.s32 v1, v3  }
0x320: {  	[tilespmem:s25], [sflag:$0x1] =	stream.indirect_vreg.gather [hbm4b:s6+s3], $0x80, v4, vm0, $0xb8;
	[tilespmem:$0x18800] =	vst v63  }
0x321: {  	s19 =	simm.s32 $0x6000  }
0x322: {  	[tilespmem:s19], [sflag:$0x1] =	stream.indirect_vreg.gather [hbm4b:s7+s3], $0x80, v4, vm0, $0xb8;
	[tilespmem:$0x18800] =	vst v63  }
0x323: {  	s20 =	simm.s32 $0x6800  }
0x324: {  	[tilespmem:s20], [sflag:$0x1] =	stream.indirect_vreg.gather [hbm4b:s1+s3], $0x80, v3, vm0, $0xb8;
	[tilespmem:$0x18800] =	vst v63  }
0x325: {  	s21 =	simm.s32 $0x7000  }
0x326: {  	[tilespmem:s21], [sflag:$0x1] =	stream.indirect_vreg.gather [hbm4b:s5+s3], $0x80, v3, vm0, $0xb8;
	[tilespmem:$0x18800] =	vst v63  }
0x327: {  	s22 =	simm.s32 $0x7800  }
0x328: {  	[tilespmem:s22], [sflag:$0x1] =	stream.indirect_vreg.gather [hbm4b:s6+s3], $0x80, v3, vm0, $0xb8;
	[tilespmem:$0x18800] =	vst v63  }
0x329: {  	s23 =	simm.s32 $0x8000  }
0x32a: {  	[tilespmem:s23], [sflag:$0x1] =	stream.indirect_vreg.gather [hbm4b:s7+s3], $0x80, v3, vm0, $0xb8;
	[tilespmem:$0x18800] =	vst v63  }
0x32b: {  	_ =	swait.ge [sflag:s10], $0x8000  }
0x32c: {  	[sflag:s10] =	ssyncset.done $0x0  }
0x32d: {  	s8 =	simm.s32 $0x8800;
	s24 =	rddreg [dreg:$0x11];
	[sflag:s10] =	ssyncadd.s32 $0xFFFF8000  }
0x32e: {  	[hbm4b:s24+s3] =	stream.linear.scatter [tilespmem:s8], [sflag:$0x5], $0x8000, $0x38;
	[tilespmem:$0x18800] =	vst v63  }
0x32f: {  	_ =	swait.ge [sflag:s0], $0x8000  }
0x330: {  	[sflag:s0] =	ssyncset.done $0x0  }
0x331: {  	s25 =	rddreg [dreg:$0x12];
	[sflag:s0] =	ssyncadd.s32 $0xFFFF8000  }
0x332: {  	[hbm4b:s25+s3] =	stream.linear.scatter [tilespmem:s16], [sflag:$0x6], $0x8000, $0x38;
	[tilespmem:$0x18800] =	vst v63  }
0x333: {  	_ =	swait.ge [sflag:s29], $0x8000  }
0x334: {  	[sflag:s29] =	ssyncset.done $0x0  }
0x335: {  	s13 =	simm.s32 $0x800;
	s26 =	rddreg [dreg:$0x13];
	[sflag:s29] =	ssyncadd.s32 $0xFFFF8000  }
0x336: {  	[hbm4b:s26+s3] =	stream.linear.scatter [tilespmem:s13], [sflag:$0x4], $0x8000, $0x38;
	[tilespmem:$0x18800] =	vst v63  }
0x337: {  	s31 =	rddreg [dreg:$0x15];
	_ =	swait.ge [sflag:s2], $0x8000  }
0x338: {  	[sflag:s2] =	ssyncset.done $0x0  }
0x339: {  	[sflag:s2] =	ssyncadd.s32 $0xFFFF8000  }
0x33a: {  	p0 =	sne.s32 s31, $0x1;
	_ =	swait.ge [sflag:s4], $0x8000  }
.Ltmp0:
0x33b: {  	[sflag:s4] =	ssyncset.done $0x0;
	(pc) =	sbr.rel @p0 .LBB2_1-.Ltmp0, $4  }
0x33c: {  	[sflag:s4] =	ssyncadd.s32 $0xFFFF8000  }
0x33d: {  	_ =	swait.ge [sflag:s30], $0x8000  }
0x33e: {  	[sflag:s30] =	ssyncset.done $0x0  }
0x33f: {  	s8 =	sadd.s32 $0xFFFFFFFF, s31;
	[sflag:s30] =	ssyncadd.s32 $0xFFFF8000  }
0x340: {  	_ =	sfence.sel $0x180000  }
0x341: {  	[bflag:$0x0] =	sbarrier.arrive $0xFFFF  }
0x342: {  	_ =	strace $0x90000047  }
0x343: {  	s0 =	stileid.u32;
	[bflag:$0x2] =	sbarrier.arrive $0xFFFF  }
0x344: {  	p0 =	sne.s32 s0, $0x0;
	s0 =	rddreg [dreg:$0x3]  }
0x345: {  	s0 =	sadd.s32 @!p0 $0x100000, s0  }
0x346: {  	[sflag:s0] =	ssyncadd.tile.s32 @!p0 $0x1;
	_ =	shalt  }
.Lfunc_end2:
_tile_overlayer_lowered:
.L_overlay_start_2:
0x347: {  	(tag) =	ssettag $0x2  }
0x348: {  	s0 =	rddreg [dreg:$0x0];
	s2 =	stileid.u32  }
0x349: {  	s1 =	rddreg [dreg:$0x1];
	p0 =	sne.s32 s2, $0x0  }
0x34a: {  	s3 =	rddreg [dreg:$0x2];
	[bflag:$0x3] =	sbarrier.arrive $0xFFFF;
	s2 =	simm.s32 @!p0 $0x1C07  }
0x34b: {  	[timem:s3], [sflag:s2] =	dma.local @!p0 [hbm:s0], s1  }
0x34c: {  	s0 =	simm.s32 @!p0 $0x7  }
0x34d: {  	_ =	swait.ge @!p0 [sflag:s0], s1  }
0x34e: {  	s1 =	ssub.s32 @!p0 $0x0, s1;
	[sflag:s0] =	ssyncset.done @!p0 $0x0  }
0x34f: {  	[sflag:s0] =	ssyncadd.s32 @!p0 s1  }
0x350: {  	[bflag:$0x3] =	sbarrier.arrive $0xFFFF  }
0x351: {  	_ =	shalt  }

</sc_bundles>
